<compile_context>
chip_gen: v7x
topology: tpu7x:2x2x1
jax: 0.10.2.dev20260603
libtpu: 0.0.44.dev20260713+nightly
codegen_flags: <defaults>
</compile_context>

<pallas_src>
import jax
import jax.numpy as jnp
from jax import lax
from jax.experimental import pallas as pl
from jax.experimental.pallas import tpu as pltpu
from jax.experimental.pallas import tpu_sc as plsc

_B, _T, _D = 4, 8192, 1024
_ROWS = _B * _T
_NW = 32
_PPW = _T // _NW
_CHR = 8
_NCHUNK = _PPW // _CHR
_NSLOT = 2
_LANES = 16
_VPR = _D // _LANES
_XROWS = _B * _CHR


def _sc_body(x_hbm, pos_hbm, out_hbm, *refs):
    xbs = refs[0:_NSLOT]
    pbs = refs[_NSLOT : 2 * _NSLOT]
    sin = refs[2 * _NSLOT : 3 * _NSLOT]
    sout = refs[3 * _NSLOT : 4 * _NSLOT]

    c = lax.axis_index("c")
    s = lax.axis_index("s")
    wid = s * 2 + c
    pos_base = wid * _PPW

    def fetch(i, sl):
        po = pos_base + i * _CHR
        pltpu.make_async_copy(pos_hbm.at[pl.ds(po, _CHR), :], pbs[sl], sin[sl]).start()
        for b in range(_B):
            ro = b * _T + po
            pltpu.make_async_copy(
                x_hbm.at[pl.ds(ro, _CHR), :],
                xbs[sl].at[pl.ds(b * _CHR, _CHR), :],
                sin[sl],
            ).start()

    def wait_in(sl):
        pltpu.make_async_copy(pos_hbm.at[pl.ds(pos_base, _CHR), :], pbs[sl], sin[sl]).wait()
        for b in range(_B):
            pltpu.make_async_copy(
                x_hbm.at[pl.ds(pos_base, _CHR), :],
                xbs[sl].at[pl.ds(b * _CHR, _CHR), :],
                sin[sl],
            ).wait()

    def start_out(i, sl):
        po = pos_base + i * _CHR
        for b in range(_B):
            pltpu.make_async_copy(
                xbs[sl].at[pl.ds(b * _CHR, _CHR), :],
                out_hbm.at[pl.ds(b * _T + po, _CHR), :],
                sout[sl],
            ).start()

    def wait_out(sl):
        for b in range(_B):
            pltpu.make_async_copy(
                xbs[sl].at[pl.ds(b * _CHR, _CHR), :],
                out_hbm.at[pl.ds(pos_base, _CHR), :],
                sout[sl],
            ).wait()

    def compute(sl):
        xb = xbs[sl]
        pb = pbs[sl]

        @plsc.parallel_loop(0, _XROWS * _VPR, step=1, unroll=8)
        def _vbody(j):
            r = lax.shift_right_logical(j, 6)
            pr = lax.bitwise_and(r, _CHR - 1)
            col = pl.multiple_of(
                lax.shift_left(lax.bitwise_and(j, _VPR - 1), 4), _LANES
            )
            csl = pl.ds(col, _LANES)
            xb[r, csl] = xb[r, csl] + pb[pr, csl]

    def step(i, sl):
        osl = (sl + 1) % _NSLOT
        wait_in(sl)

        @pl.when(i >= 1)
        def _():
            wait_out(osl)

        @pl.when(i + 1 < _NCHUNK)
        def _():
            fetch(i + 1, osl)
        compute(sl)
        start_out(i, sl)

    fetch(0, 0)

    def loop(k, _):
        for sl in range(_NSLOT):
            step(k * _NSLOT + sl, sl)
        return 0

    lax.fori_loop(0, _NCHUNK // _NSLOT, loop, 0)
    wait_out(_NSLOT - 1)


def kernel(x, pos_table):
    B, T, D = x.shape
    xf = x.reshape(B * T, D)
    mesh = plsc.VectorSubcoreMesh(core_axis_name="c", subcore_axis_name="s")
    scratch = [pltpu.VMEM((_XROWS, _D), jnp.float32) for _ in range(_NSLOT)]
    scratch += [pltpu.VMEM((_CHR, _D), jnp.float32) for _ in range(_NSLOT)]
    scratch += [pltpu.SemaphoreType.DMA for _ in range(2 * _NSLOT)]
    run = pl.kernel(
        _sc_body,
        out_type=jax.ShapeDtypeStruct((_ROWS, _D), jnp.float32),
        mesh=mesh,
        scratch_types=scratch,
    )
    out = run(xf, pos_table[:T])
    return out.reshape(B, T, D)

# --- scband reference (transcript-rebuilt; emitter-appended) ---
"""Pipeline reference for scband-learned-positional-encoding-4638564680508 (READ-ONLY COPY).

The authoritative reference and input builder live on the scoring server;
editing this copy changes nothing except your own understanding.
"""

import jax, jax.numpy as jnp
import numpy as np

MAX_LEN = 8192
D_MODEL = 1024
B = 4
T = 8192

def setup_inputs(seed: int = 0) -> dict:
    key = jax.random.key(seed)
    k1, k2 = jax.random.split(key)
    x = jax.random.normal(k1, (B, T, D_MODEL), dtype=jnp.float32)
    # nn.Embedding default init: N(0, 1)
    pos_table = jax.random.normal(k2, (MAX_LEN, D_MODEL), dtype=jnp.float32)
    return {"x": x, "pos_table": pos_table}

def reference(x, pos_table):
    b, t, _ = x.shape
    idx = jnp.arange(t)
    pos = jnp.take(pos_table, idx, axis=0)  # [T, D]
    return x + pos[None, :, :]

if __name__ == "__main__":
    import jax
    _d = setup_inputs()
    print(jax.jit(kernel)(*tuple(_d.values())))

</pallas_src>

<mosaic_0001>
#map = affine_map<(d0, d1) -> (0, 0)>
module attributes {stable_mosaic.version = 14 : i64} {
  func.func @_sc_body(%arg0: i32, %arg1: i32, %arg2: memref<32768x1024xf32, #tpu.memory_space<hbm>>, %arg3: memref<8192x1024xf32, #tpu.memory_space<hbm>>, %arg4: memref<32768x1024xf32, #tpu.memory_space<hbm>>, %arg5: memref<32x1024xf32, #tpu.memory_space<vmem>>, %arg6: memref<32x1024xf32, #tpu.memory_space<vmem>>, %arg7: memref<8x1024xf32, #tpu.memory_space<vmem>>, %arg8: memref<8x1024xf32, #tpu.memory_space<vmem>>, %arg9: memref<!tpu.dma_semaphore, #tpu.memory_space<semaphore_mem>>, %arg10: memref<!tpu.dma_semaphore, #tpu.memory_space<semaphore_mem>>, %arg11: memref<!tpu.dma_semaphore, #tpu.memory_space<semaphore_mem>>, %arg12: memref<!tpu.dma_semaphore, #tpu.memory_space<semaphore_mem>>) attributes {dimension_semantics = [#tpu.dimension_semantics<core_parallel>, #tpu.dimension_semantics<subcore_parallel>], iteration_bounds = array<i64: 2, 16>, scalar_prefetch = 0 : i64, scratch_operands = 8 : i64, tpu.core_type = #tpu.core_type<sc_vector_subcore>, window_params = [{transform_indices = #map}, {transform_indices = #map}, {transform_indices = #map}]} {
    %mul3A = arith.constant 2 : i32
    %mul3A_0 = arith.muli %arg1, %mul3A : i32
    %add3A = arith.addi %mul3A_0, %arg0 : i32
    %mul3A_1 = arith.constant 256 : i32
    %mul3A_2 = arith.muli %add3A, %mul3A_1 : i32
    %add3A_3 = arith.constant 0 : i32
    %add3A_4 = arith.addi %mul3A_2, %add3A_3 : i32
    %dma_start3A = arith.constant 0 : i32
    %dma_start3A_5 = tpu.memref_slice %arg3[%add3A_4, %dma_start3A] : memref<8192x1024xf32, #tpu.memory_space<hbm>> -> memref<8x1024xf32, #tpu.memory_space<hbm>>
    %dma_start3A_6 = arith.constant 0 : i32
    %dma_start3A_7 = tpu.memref_slice %arg3[%add3A_4, %dma_start3A_6] : memref<8192x1024xf32, #tpu.memory_space<hbm>> -> memref<8x1024xf32, #tpu.memory_space<hbm>>
    tpu.enqueue_dma source(%dma_start3A_7 : memref<8x1024xf32, #tpu.memory_space<hbm>>) target(%arg7 : memref<8x1024xf32, #tpu.memory_space<vmem>>) target_semaphore(%arg9 : memref<!tpu.dma_semaphore, #tpu.memory_space<semaphore_mem>>)
    %add3A_8 = arith.constant 0 : i32
    %add3A_9 = arith.addi %add3A_8, %add3A_4 : i32
    %dma_start3A_10 = arith.constant 0 : i32
    %dma_start3A_11 = arith.constant 0 : i32
    %dma_start3A_12 = tpu.memref_slice %arg5[%dma_start3A_10, %dma_start3A_11] : memref<32x1024xf32, #tpu.memory_space<vmem>> -> memref<8x1024xf32, #tpu.memory_space<vmem>>
    %dma_start3A_13 = arith.constant 0 : i32
    %dma_start3A_14 = tpu.memref_slice %arg2[%add3A_9, %dma_start3A_13] : memref<32768x1024xf32, #tpu.memory_space<hbm>> -> memref<8x1024xf32, #tpu.memory_space<hbm>>
    %dma_start3A_15 = arith.constant 0 : i32
    %dma_start3A_16 = arith.constant 0 : i32
    %dma_start3A_17 = tpu.memref_slice %arg5[%dma_start3A_15, %dma_start3A_16] : memref<32x1024xf32, #tpu.memory_space<vmem>> -> memref<8x1024xf32, #tpu.memory_space<vmem>>
    %dma_start3A_18 = arith.constant 0 : i32
    %dma_start3A_19 = tpu.memref_slice %arg2[%add3A_9, %dma_start3A_18] : memref<32768x1024xf32, #tpu.memory_space<hbm>> -> memref<8x1024xf32, #tpu.memory_space<hbm>>
    tpu.enqueue_dma source(%dma_start3A_19 : memref<8x1024xf32, #tpu.memory_space<hbm>>) target(%dma_start3A_17 : memref<8x1024xf32, #tpu.memory_space<vmem>>) target_semaphore(%arg9 : memref<!tpu.dma_semaphore, #tpu.memory_space<semaphore_mem>>)
    %add3A_20 = arith.constant 8192 : i32
    %add3A_21 = arith.addi %add3A_20, %add3A_4 : i32
    %dma_start3A_22 = arith.constant 8 : i32
    %dma_start3A_23 = arith.constant 0 : i32
    %dma_start3A_24 = tpu.memref_slice %arg5[%dma_start3A_22, %dma_start3A_23] : memref<32x1024xf32, #tpu.memory_space<vmem>> -> memref<8x1024xf32, #tpu.memory_space<vmem>>
    %dma_start3A_25 = arith.constant 0 : i32
    %dma_start3A_26 = tpu.memref_slice %arg2[%add3A_21, %dma_start3A_25] : memref<32768x1024xf32, #tpu.memory_space<hbm>> -> memref<8x1024xf32, #tpu.memory_space<hbm>>
    %dma_start3A_27 = arith.constant 8 : i32
    %dma_start3A_28 = arith.constant 0 : i32
    %dma_start3A_29 = tpu.memref_slice %arg5[%dma_start3A_27, %dma_start3A_28] : memref<32x1024xf32, #tpu.memory_space<vmem>> -> memref<8x1024xf32, #tpu.memory_space<vmem>>
    %dma_start3A_30 = arith.constant 0 : i32
    %dma_start3A_31 = tpu.memref_slice %arg2[%add3A_21, %dma_start3A_30] : memref<32768x1024xf32, #tpu.memory_space<hbm>> -> memref<8x1024xf32, #tpu.memory_space<hbm>>
    tpu.enqueue_dma source(%dma_start3A_31 : memref<8x1024xf32, #tpu.memory_space<hbm>>) target(%dma_start3A_29 : memref<8x1024xf32, #tpu.memory_space<vmem>>) target_semaphore(%arg9 : memref<!tpu.dma_semaphore, #tpu.memory_space<semaphore_mem>>)
    %add3A_32 = arith.constant 16384 : i32
    %add3A_33 = arith.addi %add3A_32, %add3A_4 : i32
    %dma_start3A_34 = arith.constant 16 : i32
    %dma_start3A_35 = arith.constant 0 : i32
    %dma_start3A_36 = tpu.memref_slice %arg5[%dma_start3A_34, %dma_start3A_35] : memref<32x1024xf32, #tpu.memory_space<vmem>> -> memref<8x1024xf32, #tpu.memory_space<vmem>>
    %dma_start3A_37 = arith.constant 0 : i32
    %dma_start3A_38 = tpu.memref_slice %arg2[%add3A_33, %dma_start3A_37] : memref<32768x1024xf32, #tpu.memory_space<hbm>> -> memref<8x1024xf32, #tpu.memory_space<hbm>>
    %dma_start3A_39 = arith.constant 16 : i32
    %dma_start3A_40 = arith.constant 0 : i32
    %dma_start3A_41 = tpu.memref_slice %arg5[%dma_start3A_39, %dma_start3A_40] : memref<32x1024xf32, #tpu.memory_space<vmem>> -> memref<8x1024xf32, #tpu.memory_space<vmem>>
    %dma_start3A_42 = arith.constant 0 : i32
    %dma_start3A_43 = tpu.memref_slice %arg2[%add3A_33, %dma_start3A_42] : memref<32768x1024xf32, #tpu.memory_space<hbm>> -> memref<8x1024xf32, #tpu.memory_space<hbm>>
    tpu.enqueue_dma source(%dma_start3A_43 : memref<8x1024xf32, #tpu.memory_space<hbm>>) target(%dma_start3A_41 : memref<8x1024xf32, #tpu.memory_space<vmem>>) target_semaphore(%arg9 : memref<!tpu.dma_semaphore, #tpu.memory_space<semaphore_mem>>)
    %add3A_44 = arith.constant 24576 : i32
    %add3A_45 = arith.addi %add3A_44, %add3A_4 : i32
    %dma_start3A_46 = arith.constant 24 : i32
    %dma_start3A_47 = arith.constant 0 : i32
    %dma_start3A_48 = tpu.memref_slice %arg5[%dma_start3A_46, %dma_start3A_47] : memref<32x1024xf32, #tpu.memory_space<vmem>> -> memref<8x1024xf32, #tpu.memory_space<vmem>>
    %dma_start3A_49 = arith.constant 0 : i32
    %dma_start3A_50 = tpu.memref_slice %arg2[%add3A_45, %dma_start3A_49] : memref<32768x1024xf32, #tpu.memory_space<hbm>> -> memref<8x1024xf32, #tpu.memory_space<hbm>>
    %dma_start3A_51 = arith.constant 24 : i32
    %dma_start3A_52 = arith.constant 0 : i32
    %dma_start3A_53 = tpu.memref_slice %arg5[%dma_start3A_51, %dma_start3A_52] : memref<32x1024xf32, #tpu.memory_space<vmem>> -> memref<8x1024xf32, #tpu.memory_space<vmem>>
    %dma_start3A_54 = arith.constant 0 : i32
    %dma_start3A_55 = tpu.memref_slice %arg2[%add3A_45, %dma_start3A_54] : memref<32768x1024xf32, #tpu.memory_space<hbm>> -> memref<8x1024xf32, #tpu.memory_space<hbm>>
    tpu.enqueue_dma source(%dma_start3A_55 : memref<8x1024xf32, #tpu.memory_space<hbm>>) target(%dma_start3A_53 : memref<8x1024xf32, #tpu.memory_space<vmem>>) target_semaphore(%arg9 : memref<!tpu.dma_semaphore, #tpu.memory_space<semaphore_mem>>)
    %scan3A = arith.constant 0 : i32
    %scan3A_56 = arith.constant 0 : i32
    %scan3A_57 = arith.constant 16 : i32
    %scan3A_58 = arith.addi %scan3A_56, %scan3A_57 : i32
    %scan3A_59 = arith.constant 1 : i32
    %scan3A_60 = scf.for %scan3A_101 = %scan3A_56 to %scan3A_58 step %scan3A_59 iter_args(%scan3A_102 = %scan3A) -> (i32)  : i32 {
      %mul3A_103 = arith.constant 2 : i32
      %mul3A_104 = arith.muli %scan3A_101, %mul3A_103 : i32
      %add3A_105 = arith.constant 0 : i32
      %add3A_106 = arith.addi %mul3A_104, %add3A_105 : i32
      %dma_wait3A_107 = arith.constant 0 : i32
      %dma_wait3A_108 = tpu.memref_slice %arg3[%mul3A_2, %dma_wait3A_107] : memref<8192x1024xf32, #tpu.memory_space<hbm>> -> memref<8x1024xf32, #tpu.memory_space<hbm>>
      %dma_wait3A_109 = arith.constant 0 : i32
      %dma_wait3A_110 = tpu.memref_slice %arg3[%mul3A_2, %dma_wait3A_109] : memref<8192x1024xf32, #tpu.memory_space<hbm>> -> memref<8x1024xf32, #tpu.memory_space<hbm>>
      tpu.wait_dma2 semaphore(%arg9 : memref<!tpu.dma_semaphore, #tpu.memory_space<semaphore_mem>>) src(%dma_wait3A_110 : memref<8x1024xf32, #tpu.memory_space<hbm>>) dst(%arg7 : memref<8x1024xf32, #tpu.memory_space<vmem>>)
      %dma_wait3A_111 = arith.constant 0 : i32
      %dma_wait3A_112 = arith.constant 0 : i32
      %dma_wait3A_113 = tpu.memref_slice %arg5[%dma_wait3A_111, %dma_wait3A_112] : memref<32x1024xf32, #tpu.memory_space<vmem>> -> memref<8x1024xf32, #tpu.memory_space<vmem>>
      %dma_wait3A_114 = arith.constant 0 : i32
      %dma_wait3A_115 = tpu.memref_slice %arg2[%mul3A_2, %dma_wait3A_114] : memref<32768x1024xf32, #tpu.memory_space<hbm>> -> memref<8x1024xf32, #tpu.memory_space<hbm>>
      %dma_wait3A_116 = arith.constant 0 : i32
      %dma_wait3A_117 = arith.constant 0 : i32
      %dma_wait3A_118 = tpu.memref_slice %arg5[%dma_wait3A_116, %dma_wait3A_117] : memref<32x1024xf32, #tpu.memory_space<vmem>> -> memref<8x1024xf32, #tpu.memory_space<vmem>>
      %dma_wait3A_119 = arith.constant 0 : i32
      %dma_wait3A_120 = tpu.memref_slice %arg2[%mul3A_2, %dma_wait3A_119] : memref<32768x1024xf32, #tpu.memory_space<hbm>> -> memref<8x1024xf32, #tpu.memory_space<hbm>>
      tpu.wait_dma2 semaphore(%arg9 : memref<!tpu.dma_semaphore, #tpu.memory_space<semaphore_mem>>) src(%dma_wait3A_120 : memref<8x1024xf32, #tpu.memory_space<hbm>>) dst(%dma_wait3A_118 : memref<8x1024xf32, #tpu.memory_space<vmem>>)
      %dma_wait3A_121 = arith.constant 8 : i32
      %dma_wait3A_122 = arith.constant 0 : i32
      %dma_wait3A_123 = tpu.memref_slice %arg5[%dma_wait3A_121, %dma_wait3A_122] : memref<32x1024xf32, #tpu.memory_space<vmem>> -> memref<8x1024xf32, #tpu.memory_space<vmem>>
      %dma_wait3A_124 = arith.constant 0 : i32
      %dma_wait3A_125 = tpu.memref_slice %arg2[%mul3A_2, %dma_wait3A_124] : memref<32768x1024xf32, #tpu.memory_space<hbm>> -> memref<8x1024xf32, #tpu.memory_space<hbm>>
      %dma_wait3A_126 = arith.constant 8 : i32
      %dma_wait3A_127 = arith.constant 0 : i32
      %dma_wait3A_128 = tpu.memref_slice %arg5[%dma_wait3A_126, %dma_wait3A_127] : memref<32x1024xf32, #tpu.memory_space<vmem>> -> memref<8x1024xf32, #tpu.memory_space<vmem>>
      %dma_wait3A_129 = arith.constant 0 : i32
      %dma_wait3A_130 = tpu.memref_slice %arg2[%mul3A_2, %dma_wait3A_129] : memref<32768x1024xf32, #tpu.memory_space<hbm>> -> memref<8x1024xf32, #tpu.memory_space<hbm>>
      tpu.wait_dma2 semaphore(%arg9 : memref<!tpu.dma_semaphore, #tpu.memory_space<semaphore_mem>>) src(%dma_wait3A_130 : memref<8x1024xf32, #tpu.memory_space<hbm>>) dst(%dma_wait3A_128 : memref<8x1024xf32, #tpu.memory_space<vmem>>)
      %dma_wait3A_131 = arith.constant 16 : i32
      %dma_wait3A_132 = arith.constant 0 : i32
      %dma_wait3A_133 = tpu.memref_slice %arg5[%dma_wait3A_131, %dma_wait3A_132] : memref<32x1024xf32, #tpu.memory_space<vmem>> -> memref<8x1024xf32, #tpu.memory_space<vmem>>
      %dma_wait3A_134 = arith.constant 0 : i32
      %dma_wait3A_135 = tpu.memref_slice %arg2[%mul3A_2, %dma_wait3A_134] : memref<32768x1024xf32, #tpu.memory_space<hbm>> -> memref<8x1024xf32, #tpu.memory_space<hbm>>
      %dma_wait3A_136 = arith.constant 16 : i32
      %dma_wait3A_137 = arith.constant 0 : i32
      %dma_wait3A_138 = tpu.memref_slice %arg5[%dma_wait3A_136, %dma_wait3A_137] : memref<32x1024xf32, #tpu.memory_space<vmem>> -> memref<8x1024xf32, #tpu.memory_space<vmem>>
      %dma_wait3A_139 = arith.constant 0 : i32
      %dma_wait3A_140 = tpu.memref_slice %arg2[%mul3A_2, %dma_wait3A_139] : memref<32768x1024xf32, #tpu.memory_space<hbm>> -> memref<8x1024xf32, #tpu.memory_space<hbm>>
      tpu.wait_dma2 semaphore(%arg9 : memref<!tpu.dma_semaphore, #tpu.memory_space<semaphore_mem>>) src(%dma_wait3A_140 : memref<8x1024xf32, #tpu.memory_space<hbm>>) dst(%dma_wait3A_138 : memref<8x1024xf32, #tpu.memory_space<vmem>>)
      %dma_wait3A_141 = arith.constant 24 : i32
      %dma_wait3A_142 = arith.constant 0 : i32
      %dma_wait3A_143 = tpu.memref_slice %arg5[%dma_wait3A_141, %dma_wait3A_142] : memref<32x1024xf32, #tpu.memory_space<vmem>> -> memref<8x1024xf32, #tpu.memory_space<vmem>>
      %dma_wait3A_144 = arith.constant 0 : i32
      %dma_wait3A_145 = tpu.memref_slice %arg2[%mul3A_2, %dma_wait3A_144] : memref<32768x1024xf32, #tpu.memory_space<hbm>> -> memref<8x1024xf32, #tpu.memory_space<hbm>>
      %dma_wait3A_146 = arith.constant 24 : i32
      %dma_wait3A_147 = arith.constant 0 : i32
      %dma_wait3A_148 = tpu.memref_slice %arg5[%dma_wait3A_146, %dma_wait3A_147] : memref<32x1024xf32, #tpu.memory_space<vmem>> -> memref<8x1024xf32, #tpu.memory_space<vmem>>
      %dma_wait3A_149 = arith.constant 0 : i32
      %dma_wait3A_150 = tpu.memref_slice %arg2[%mul3A_2, %dma_wait3A_149] : memref<32768x1024xf32, #tpu.memory_space<hbm>> -> memref<8x1024xf32, #tpu.memory_space<hbm>>
      tpu.wait_dma2 semaphore(%arg9 : memref<!tpu.dma_semaphore, #tpu.memory_space<semaphore_mem>>) src(%dma_wait3A_150 : memref<8x1024xf32, #tpu.memory_space<hbm>>) dst(%dma_wait3A_148 : memref<8x1024xf32, #tpu.memory_space<vmem>>)
      %ge3A = arith.constant 1 : i32
      %ge3A_151 = arith.cmpi sge, %add3A_106, %ge3A : i32
      %convert_element_type3A = arith.extui %ge3A_151 : i1 to i32
      %cond3A = arith.constant 0 : i32
      %cond3A_152 = arith.cmpi ne, %convert_element_type3A, %cond3A : i32
      scf.if %cond3A_152 {
        %dma_wait3A_327 = arith.constant 0 : i32
        %dma_wait3A_328 = arith.constant 0 : i32
        %dma_wait3A_329 = tpu.memref_slice %arg6[%dma_wait3A_327, %dma_wait3A_328] : memref<32x1024xf32, #tpu.memory_space<vmem>> -> memref<8x1024xf32, #tpu.memory_space<vmem>>
        %dma_wait3A_330 = arith.constant 0 : i32
        %dma_wait3A_331 = tpu.memref_slice %arg4[%mul3A_2, %dma_wait3A_330] : memref<32768x1024xf32, #tpu.memory_space<hbm>> -> memref<8x1024xf32, #tpu.memory_space<hbm>>
        %dma_wait3A_332 = arith.constant 0 : i32
        %dma_wait3A_333 = tpu.memref_slice %arg4[%mul3A_2, %dma_wait3A_332] : memref<32768x1024xf32, #tpu.memory_space<hbm>> -> memref<8x1024xf32, #tpu.memory_space<hbm>>
        %dma_wait3A_334 = arith.constant 0 : i32
        %dma_wait3A_335 = arith.constant 0 : i32
        %dma_wait3A_336 = tpu.memref_slice %arg6[%dma_wait3A_334, %dma_wait3A_335] : memref<32x1024xf32, #tpu.memory_space<vmem>> -> memref<8x1024xf32, #tpu.memory_space<vmem>>
        tpu.wait_dma2 semaphore(%arg12 : memref<!tpu.dma_semaphore, #tpu.memory_space<semaphore_mem>>) src(%dma_wait3A_336 : memref<8x1024xf32, #tpu.memory_space<vmem>>) dst(%dma_wait3A_333 : memref<8x1024xf32, #tpu.memory_space<hbm>>)
        %dma_wait3A_337 = arith.constant 8 : i32
        %dma_wait3A_338 = arith.constant 0 : i32
        %dma_wait3A_339 = tpu.memref_slice %arg6[%dma_wait3A_337, %dma_wait3A_338] : memref<32x1024xf32, #tpu.memory_space<vmem>> -> memref<8x1024xf32, #tpu.memory_space<vmem>>
        %dma_wait3A_340 = arith.constant 0 : i32
        %dma_wait3A_341 = tpu.memref_slice %arg4[%mul3A_2, %dma_wait3A_340] : memref<32768x1024xf32, #tpu.memory_space<hbm>> -> memref<8x1024xf32, #tpu.memory_space<hbm>>
        %dma_wait3A_342 = arith.constant 0 : i32
        %dma_wait3A_343 = tpu.memref_slice %arg4[%mul3A_2, %dma_wait3A_342] : memref<32768x1024xf32, #tpu.memory_space<hbm>> -> memref<8x1024xf32, #tpu.memory_space<hbm>>
        %dma_wait3A_344 = arith.constant 8 : i32
        %dma_wait3A_345 = arith.constant 0 : i32
        %dma_wait3A_346 = tpu.memref_slice %arg6[%dma_wait3A_344, %dma_wait3A_345] : memref<32x1024xf32, #tpu.memory_space<vmem>> -> memref<8x1024xf32, #tpu.memory_space<vmem>>
        tpu.wait_dma2 semaphore(%arg12 : memref<!tpu.dma_semaphore, #tpu.memory_space<semaphore_mem>>) src(%dma_wait3A_346 : memref<8x1024xf32, #tpu.memory_space<vmem>>) dst(%dma_wait3A_343 : memref<8x1024xf32, #tpu.memory_space<hbm>>)
        %dma_wait3A_347 = arith.constant 16 : i32
        %dma_wait3A_348 = arith.constant 0 : i32
        %dma_wait3A_349 = tpu.memref_slice %arg6[%dma_wait3A_347, %dma_wait3A_348] : memref<32x1024xf32, #tpu.memory_space<vmem>> -> memref<8x1024xf32, #tpu.memory_space<vmem>>
        %dma_wait3A_350 = arith.constant 0 : i32
        %dma_wait3A_351 = tpu.memref_slice %arg4[%mul3A_2, %dma_wait3A_350] : memref<32768x1024xf32, #tpu.memory_space<hbm>> -> memref<8x1024xf32, #tpu.memory_space<hbm>>
        %dma_wait3A_352 = arith.constant 0 : i32
        %dma_wait3A_353 = tpu.memref_slice %arg4[%mul3A_2, %dma_wait3A_352] : memref<32768x1024xf32, #tpu.memory_space<hbm>> -> memref<8x1024xf32, #tpu.memory_space<hbm>>
        %dma_wait3A_354 = arith.constant 16 : i32
        %dma_wait3A_355 = arith.constant 0 : i32
        %dma_wait3A_356 = tpu.memref_slice %arg6[%dma_wait3A_354, %dma_wait3A_355] : memref<32x1024xf32, #tpu.memory_space<vmem>> -> memref<8x1024xf32, #tpu.memory_space<vmem>>
        tpu.wait_dma2 semaphore(%arg12 : memref<!tpu.dma_semaphore, #tpu.memory_space<semaphore_mem>>) src(%dma_wait3A_356 : memref<8x1024xf32, #tpu.memory_space<vmem>>) dst(%dma_wait3A_353 : memref<8x1024xf32, #tpu.memory_space<hbm>>)
        %dma_wait3A_357 = arith.constant 24 : i32
        %dma_wait3A_358 = arith.constant 0 : i32
        %dma_wait3A_359 = tpu.memref_slice %arg6[%dma_wait3A_357, %dma_wait3A_358] : memref<32x1024xf32, #tpu.memory_space<vmem>> -> memref<8x1024xf32, #tpu.memory_space<vmem>>
        %dma_wait3A_360 = arith.constant 0 : i32
        %dma_wait3A_361 = tpu.memref_slice %arg4[%mul3A_2, %dma_wait3A_360] : memref<32768x1024xf32, #tpu.memory_space<hbm>> -> memref<8x1024xf32, #tpu.memory_space<hbm>>
        %dma_wait3A_362 = arith.constant 0 : i32
        %dma_wait3A_363 = tpu.memref_slice %arg4[%mul3A_2, %dma_wait3A_362] : memref<32768x1024xf32, #tpu.memory_space<hbm>> -> memref<8x1024xf32, #tpu.memory_space<hbm>>
        %dma_wait3A_364 = arith.constant 24 : i32
        %dma_wait3A_365 = arith.constant 0 : i32
        %dma_wait3A_366 = tpu.memref_slice %arg6[%dma_wait3A_364, %dma_wait3A_365] : memref<32x1024xf32, #tpu.memory_space<vmem>> -> memref<8x1024xf32, #tpu.memory_space<vmem>>
        tpu.wait_dma2 semaphore(%arg12 : memref<!tpu.dma_semaphore, #tpu.memory_space<semaphore_mem>>) src(%dma_wait3A_366 : memref<8x1024xf32, #tpu.memory_space<vmem>>) dst(%dma_wait3A_363 : memref<8x1024xf32, #tpu.memory_space<hbm>>)
      } else {
      }
      %add3A_153 = arith.constant 1 : i32
      %add3A_154 = arith.addi %add3A_106, %add3A_153 : i32
      %lt3A = arith.constant 32 : i32
      %lt3A_155 = arith.cmpi slt, %add3A_154, %lt3A : i32
      %convert_element_type3A_156 = arith.extui %lt3A_155 : i1 to i32
      %cond3A_157 = arith.constant 0 : i32
      %cond3A_158 = arith.cmpi ne, %convert_element_type3A_156, %cond3A_157 : i32
      scf.if %cond3A_158 {
        %add3A_327 = arith.constant 1 : i32
        %add3A_328 = arith.addi %add3A_106, %add3A_327 : i32
        %mul3A_329 = arith.constant 8 : i32
        %mul3A_330 = arith.muli %add3A_328, %mul3A_329 : i32
        %add3A_331 = arith.addi %mul3A_2, %mul3A_330 : i32
        %dma_start3A_332 = arith.constant 0 : i32
        %dma_start3A_333 = tpu.memref_slice %arg3[%add3A_331, %dma_start3A_332] : memref<8192x1024xf32, #tpu.memory_space<hbm>> -> memref<8x1024xf32, #tpu.memory_space<hbm>>
        %dma_start3A_334 = arith.constant 0 : i32
        %dma_start3A_335 = tpu.memref_slice %arg3[%add3A_331, %dma_start3A_334] : memref<8192x1024xf32, #tpu.memory_space<hbm>> -> memref<8x1024xf32, #tpu.memory_space<hbm>>
        tpu.enqueue_dma source(%dma_start3A_335 : memref<8x1024xf32, #tpu.memory_space<hbm>>) target(%arg8 : memref<8x1024xf32, #tpu.memory_space<vmem>>) target_semaphore(%arg10 : memref<!tpu.dma_semaphore, #tpu.memory_space<semaphore_mem>>)
        %add3A_336 = arith.constant 0 : i32
        %add3A_337 = arith.addi %add3A_336, %add3A_331 : i32
        %dma_start3A_338 = arith.constant 0 : i32
        %dma_start3A_339 = arith.constant 0 : i32
        %dma_start3A_340 = tpu.memref_slice %arg6[%dma_start3A_338, %dma_start3A_339] : memref<32x1024xf32, #tpu.memory_space<vmem>> -> memref<8x1024xf32, #tpu.memory_space<vmem>>
        %dma_start3A_341 = arith.constant 0 : i32
        %dma_start3A_342 = tpu.memref_slice %arg2[%add3A_337, %dma_start3A_341] : memref<32768x1024xf32, #tpu.memory_space<hbm>> -> memref<8x1024xf32, #tpu.memory_space<hbm>>
        %dma_start3A_343 = arith.constant 0 : i32
        %dma_start3A_344 = arith.constant 0 : i32
        %dma_start3A_345 = tpu.memref_slice %arg6[%dma_start3A_343, %dma_start3A_344] : memref<32x1024xf32, #tpu.memory_space<vmem>> -> memref<8x1024xf32, #tpu.memory_space<vmem>>
        %dma_start3A_346 = arith.constant 0 : i32
        %dma_start3A_347 = tpu.memref_slice %arg2[%add3A_337, %dma_start3A_346] : memref<32768x1024xf32, #tpu.memory_space<hbm>> -> memref<8x1024xf32, #tpu.memory_space<hbm>>
        tpu.enqueue_dma source(%dma_start3A_347 : memref<8x1024xf32, #tpu.memory_space<hbm>>) target(%dma_start3A_345 : memref<8x1024xf32, #tpu.memory_space<vmem>>) target_semaphore(%arg10 : memref<!tpu.dma_semaphore, #tpu.memory_space<semaphore_mem>>)
        %add3A_348 = arith.constant 8192 : i32
        %add3A_349 = arith.addi %add3A_348, %add3A_331 : i32
        %dma_start3A_350 = arith.constant 8 : i32
        %dma_start3A_351 = arith.constant 0 : i32
        %dma_start3A_352 = tpu.memref_slice %arg6[%dma_start3A_350, %dma_start3A_351] : memref<32x1024xf32, #tpu.memory_space<vmem>> -> memref<8x1024xf32, #tpu.memory_space<vmem>>
        %dma_start3A_353 = arith.constant 0 : i32
        %dma_start3A_354 = tpu.memref_slice %arg2[%add3A_349, %dma_start3A_353] : memref<32768x1024xf32, #tpu.memory_space<hbm>> -> memref<8x1024xf32, #tpu.memory_space<hbm>>
        %dma_start3A_355 = arith.constant 8 : i32
        %dma_start3A_356 = arith.constant 0 : i32
        %dma_start3A_357 = tpu.memref_slice %arg6[%dma_start3A_355, %dma_start3A_356] : memref<32x1024xf32, #tpu.memory_space<vmem>> -> memref<8x1024xf32, #tpu.memory_space<vmem>>
        %dma_start3A_358 = arith.constant 0 : i32
        %dma_start3A_359 = tpu.memref_slice %arg2[%add3A_349, %dma_start3A_358] : memref<32768x1024xf32, #tpu.memory_space<hbm>> -> memref<8x1024xf32, #tpu.memory_space<hbm>>
        tpu.enqueue_dma source(%dma_start3A_359 : memref<8x1024xf32, #tpu.memory_space<hbm>>) target(%dma_start3A_357 : memref<8x1024xf32, #tpu.memory_space<vmem>>) target_semaphore(%arg10 : memref<!tpu.dma_semaphore, #tpu.memory_space<semaphore_mem>>)
        %add3A_360 = arith.constant 16384 : i32
        %add3A_361 = arith.addi %add3A_360, %add3A_331 : i32
        %dma_start3A_362 = arith.constant 16 : i32
        %dma_start3A_363 = arith.constant 0 : i32
        %dma_start3A_364 = tpu.memref_slice %arg6[%dma_start3A_362, %dma_start3A_363] : memref<32x1024xf32, #tpu.memory_space<vmem>> -> memref<8x1024xf32, #tpu.memory_space<vmem>>
        %dma_start3A_365 = arith.constant 0 : i32
        %dma_start3A_366 = tpu.memref_slice %arg2[%add3A_361, %dma_start3A_365] : memref<32768x1024xf32, #tpu.memory_space<hbm>> -> memref<8x1024xf32, #tpu.memory_space<hbm>>
        %dma_start3A_367 = arith.constant 16 : i32
        %dma_start3A_368 = arith.constant 0 : i32
        %dma_start3A_369 = tpu.memref_slice %arg6[%dma_start3A_367, %dma_start3A_368] : memref<32x1024xf32, #tpu.memory_space<vmem>> -> memref<8x1024xf32, #tpu.memory_space<vmem>>
        %dma_start3A_370 = arith.constant 0 : i32
        %dma_start3A_371 = tpu.memref_slice %arg2[%add3A_361, %dma_start3A_370] : memref<32768x1024xf32, #tpu.memory_space<hbm>> -> memref<8x1024xf32, #tpu.memory_space<hbm>>
        tpu.enqueue_dma source(%dma_start3A_371 : memref<8x1024xf32, #tpu.memory_space<hbm>>) target(%dma_start3A_369 : memref<8x1024xf32, #tpu.memory_space<vmem>>) target_semaphore(%arg10 : memref<!tpu.dma_semaphore, #tpu.memory_space<semaphore_mem>>)
        %add3A_372 = arith.constant 24576 : i32
        %add3A_373 = arith.addi %add3A_372, %add3A_331 : i32
        %dma_start3A_374 = arith.constant 24 : i32
        %dma_start3A_375 = arith.constant 0 : i32
        %dma_start3A_376 = tpu.memref_slice %arg6[%dma_start3A_374, %dma_start3A_375] : memref<32x1024xf32, #tpu.memory_space<vmem>> -> memref<8x1024xf32, #tpu.memory_space<vmem>>
        %dma_start3A_377 = arith.constant 0 : i32
        %dma_start3A_378 = tpu.memref_slice %arg2[%add3A_373, %dma_start3A_377] : memref<32768x1024xf32, #tpu.memory_space<hbm>> -> memref<8x1024xf32, #tpu.memory_space<hbm>>
        %dma_start3A_379 = arith.constant 24 : i32
        %dma_start3A_380 = arith.constant 0 : i32
        %dma_start3A_381 = tpu.memref_slice %arg6[%dma_start3A_379, %dma_start3A_380] : memref<32x1024xf32, #tpu.memory_space<vmem>> -> memref<8x1024xf32, #tpu.memory_space<vmem>>
        %dma_start3A_382 = arith.constant 0 : i32
        %dma_start3A_383 = tpu.memref_slice %arg2[%add3A_373, %dma_start3A_382] : memref<32768x1024xf32, #tpu.memory_space<hbm>> -> memref<8x1024xf32, #tpu.memory_space<hbm>>
        tpu.enqueue_dma source(%dma_start3A_383 : memref<8x1024xf32, #tpu.memory_space<hbm>>) target(%dma_start3A_381 : memref<8x1024xf32, #tpu.memory_space<vmem>>) target_semaphore(%arg10 : memref<!tpu.dma_semaphore, #tpu.memory_space<semaphore_mem>>)
      } else {
      }
      %parallel_loop3A = arith.constant 0 : i32
      %parallel_loop3A_159 = arith.constant 2048 : i32
      %parallel_loop3A_160 = arith.constant 1 : i32
      scf.for %parallel_loop3A_327 = %parallel_loop3A to %parallel_loop3A_159 step %parallel_loop3A_160  : i32 {
        %parallel_loop3A_328 = arith.constant 6 : i32
        %parallel_loop3A_329 = arith.shrui %parallel_loop3A_327, %parallel_loop3A_328 : i32
        %parallel_loop3A_330 = arith.constant 7 : i32
        %parallel_loop3A_331 = arith.andi %parallel_loop3A_329, %parallel_loop3A_330 : i32
        %parallel_loop3A_332 = arith.constant 63 : i32
        %parallel_loop3A_333 = arith.andi %parallel_loop3A_327, %parallel_loop3A_332 : i32
        %parallel_loop3A_334 = arith.constant 4 : i32
        %parallel_loop3A_335 = arith.shli %parallel_loop3A_333, %parallel_loop3A_334 : i32
        %parallel_loop3A_336 = tpu.assume_multiple %parallel_loop3A_335, 16 : i32
        %parallel_loop3A_337 = arith.index_cast %parallel_loop3A_329 : i32 to index
        %parallel_loop3A_338 = arith.index_cast %parallel_loop3A_336 : i32 to index
        %parallel_loop3A_339 = tpu.vector_load %arg5[%parallel_loop3A_337, %parallel_loop3A_338] {strides = array<i32>} : memref<32x1024xf32, #tpu.memory_space<vmem>>, vector<1x16xf32>,
        %parallel_loop3A_340 = vector.shape_cast %parallel_loop3A_339 : vector<1x16xf32> to vector<16xf32>
        %parallel_loop3A_341 = arith.index_cast %parallel_loop3A_331 : i32 to index
        %parallel_loop3A_342 = arith.index_cast %parallel_loop3A_336 : i32 to index
        %parallel_loop3A_343 = tpu.vector_load %arg7[%parallel_loop3A_341, %parallel_loop3A_342] {strides = array<i32>} : memref<8x1024xf32, #tpu.memory_space<vmem>>, vector<1x16xf32>,
        %parallel_loop3A_344 = vector.shape_cast %parallel_loop3A_343 : vector<1x16xf32> to vector<16xf32>
        %parallel_loop3A_345 = arith.addf %parallel_loop3A_340, %parallel_loop3A_344 : vector<16xf32>
        %parallel_loop3A_346 = arith.index_cast %parallel_loop3A_329 : i32 to index
        %parallel_loop3A_347 = arith.index_cast %parallel_loop3A_336 : i32 to index
        %parallel_loop3A_348 = tpu.vector_load %arg5[%parallel_loop3A_346, %parallel_loop3A_347] {strides = array<i32>} : memref<32x1024xf32, #tpu.memory_space<vmem>>, vector<1x16xf32>,
        %parallel_loop3A_349 = vector.shape_cast %parallel_loop3A_348 : vector<1x16xf32> to vector<16xf32>
        %parallel_loop3A_350 = vector.shape_cast %parallel_loop3A_345 : vector<16xf32> to vector<1x16xf32>
        tpu.vector_store %arg5[%parallel_loop3A_346, %parallel_loop3A_347], %parallel_loop3A_350 {strides = array<i32>} : memref<32x1024xf32, #tpu.memory_space<vmem>>, vector<1x16xf32>,
      } {sc.loop_unroll_factor = 8 : i64, sc.parallel_access}
      %mul3A_161 = arith.constant 8 : i32
      %mul3A_162 = arith.muli %add3A_106, %mul3A_161 : i32
      %add3A_163 = arith.addi %mul3A_2, %mul3A_162 : i32
      %add3A_164 = arith.constant 0 : i32
      %add3A_165 = arith.addi %add3A_164, %add3A_163 : i32
      %dma_start3A_166 = arith.constant 0 : i32
      %dma_start3A_167 = arith.constant 0 : i32
      %dma_start3A_168 = tpu.memref_slice %arg5[%dma_start3A_166, %dma_start3A_167] : memref<32x1024xf32, #tpu.memory_space<vmem>> -> memref<8x1024xf32, #tpu.memory_space<vmem>>
      %dma_start3A_169 = arith.constant 0 : i32
      %dma_start3A_170 = tpu.memref_slice %arg4[%add3A_165, %dma_start3A_169] : memref<32768x1024xf32, #tpu.memory_space<hbm>> -> memref<8x1024xf32, #tpu.memory_space<hbm>>
      %dma_start3A_171 = arith.constant 0 : i32
      %dma_start3A_172 = tpu.memref_slice %arg4[%add3A_165, %dma_start3A_171] : memref<32768x1024xf32, #tpu.memory_space<hbm>> -> memref<8x1024xf32, #tpu.memory_space<hbm>>
      %dma_start3A_173 = arith.constant 0 : i32
      %dma_start3A_174 = arith.constant 0 : i32
      %dma_start3A_175 = tpu.memref_slice %arg5[%dma_start3A_173, %dma_start3A_174] : memref<32x1024xf32, #tpu.memory_space<vmem>> -> memref<8x1024xf32, #tpu.memory_space<vmem>>
      tpu.enqueue_dma source(%dma_start3A_175 : memref<8x1024xf32, #tpu.memory_space<vmem>>) target(%dma_start3A_172 : memref<8x1024xf32, #tpu.memory_space<hbm>>) target_semaphore(%arg11 : memref<!tpu.dma_semaphore, #tpu.memory_space<semaphore_mem>>)
      %add3A_176 = arith.constant 8192 : i32
      %add3A_177 = arith.addi %add3A_176, %add3A_163 : i32
      %dma_start3A_178 = arith.constant 8 : i32
      %dma_start3A_179 = arith.constant 0 : i32
      %dma_start3A_180 = tpu.memref_slice %arg5[%dma_start3A_178, %dma_start3A_179] : memref<32x1024xf32, #tpu.memory_space<vmem>> -> memref<8x1024xf32, #tpu.memory_space<vmem>>
      %dma_start3A_181 = arith.constant 0 : i32
      %dma_start3A_182 = tpu.memref_slice %arg4[%add3A_177, %dma_start3A_181] : memref<32768x1024xf32, #tpu.memory_space<hbm>> -> memref<8x1024xf32, #tpu.memory_space<hbm>>
      %dma_start3A_183 = arith.constant 0 : i32
      %dma_start3A_184 = tpu.memref_slice %arg4[%add3A_177, %dma_start3A_183] : memref<32768x1024xf32, #tpu.memory_space<hbm>> -> memref<8x1024xf32, #tpu.memory_space<hbm>>
      %dma_start3A_185 = arith.constant 8 : i32
      %dma_start3A_186 = arith.constant 0 : i32
      %dma_start3A_187 = tpu.memref_slice %arg5[%dma_start3A_185, %dma_start3A_186] : memref<32x1024xf32, #tpu.memory_space<vmem>> -> memref<8x1024xf32, #tpu.memory_space<vmem>>
      tpu.enqueue_dma source(%dma_start3A_187 : memref<8x1024xf32, #tpu.memory_space<vmem>>) target(%dma_start3A_184 : memref<8x1024xf32, #tpu.memory_space<hbm>>) target_semaphore(%arg11 : memref<!tpu.dma_semaphore, #tpu.memory_space<semaphore_mem>>)
      %add3A_188 = arith.constant 16384 : i32
      %add3A_189 = arith.addi %add3A_188, %add3A_163 : i32
      %dma_start3A_190 = arith.constant 16 : i32
      %dma_start3A_191 = arith.constant 0 : i32
      %dma_start3A_192 = tpu.memref_slice %arg5[%dma_start3A_190, %dma_start3A_191] : memref<32x1024xf32, #tpu.memory_space<vmem>> -> memref<8x1024xf32, #tpu.memory_space<vmem>>
      %dma_start3A_193 = arith.constant 0 : i32
      %dma_start3A_194 = tpu.memref_slice %arg4[%add3A_189, %dma_start3A_193] : memref<32768x1024xf32, #tpu.memory_space<hbm>> -> memref<8x1024xf32, #tpu.memory_space<hbm>>
      %dma_start3A_195 = arith.constant 0 : i32
      %dma_start3A_196 = tpu.memref_slice %arg4[%add3A_189, %dma_start3A_195] : memref<32768x1024xf32, #tpu.memory_space<hbm>> -> memref<8x1024xf32, #tpu.memory_space<hbm>>
      %dma_start3A_197 = arith.constant 16 : i32
      %dma_start3A_198 = arith.constant 0 : i32
      %dma_start3A_199 = tpu.memref_slice %arg5[%dma_start3A_197, %dma_start3A_198] : memref<32x1024xf32, #tpu.memory_space<vmem>> -> memref<8x1024xf32, #tpu.memory_space<vmem>>
      tpu.enqueue_dma source(%dma_start3A_199 : memref<8x1024xf32, #tpu.memory_space<vmem>>) target(%dma_start3A_196 : memref<8x1024xf32, #tpu.memory_space<hbm>>) target_semaphore(%arg11 : memref<!tpu.dma_semaphore, #tpu.memory_space<semaphore_mem>>)
      %add3A_200 = arith.constant 24576 : i32
      %add3A_201 = arith.addi %add3A_200, %add3A_163 : i32
      %dma_start3A_202 = arith.constant 24 : i32
      %dma_start3A_203 = arith.constant 0 : i32
      %dma_start3A_204 = tpu.memref_slice %arg5[%dma_start3A_202, %dma_start3A_203] : memref<32x1024xf32, #tpu.memory_space<vmem>> -> memref<8x1024xf32, #tpu.memory_space<vmem>>
      %dma_start3A_205 = arith.constant 0 : i32
      %dma_start3A_206 = tpu.memref_slice %arg4[%add3A_201, %dma_start3A_205] : memref<32768x1024xf32, #tpu.memory_space<hbm>> -> memref<8x1024xf32, #tpu.memory_space<hbm>>
      %dma_start3A_207 = arith.constant 0 : i32
      %dma_start3A_208 = tpu.memref_slice %arg4[%add3A_201, %dma_start3A_207] : memref<32768x1024xf32, #tpu.memory_space<hbm>> -> memref<8x1024xf32, #tpu.memory_space<hbm>>
      %dma_start3A_209 = arith.constant 24 : i32
      %dma_start3A_210 = arith.constant 0 : i32
      %dma_start3A_211 = tpu.memref_slice %arg5[%dma_start3A_209, %dma_start3A_210] : memref<32x1024xf32, #tpu.memory_space<vmem>> -> memref<8x1024xf32, #tpu.memory_space<vmem>>
      tpu.enqueue_dma source(%dma_start3A_211 : memref<8x1024xf32, #tpu.memory_space<vmem>>) target(%dma_start3A_208 : memref<8x1024xf32, #tpu.memory_space<hbm>>) target_semaphore(%arg11 : memref<!tpu.dma_semaphore, #tpu.memory_space<semaphore_mem>>)
      %mul3A_212 = arith.constant 2 : i32
      %mul3A_213 = arith.muli %scan3A_101, %mul3A_212 : i32
      %add3A_214 = arith.constant 1 : i32
      %add3A_215 = arith.addi %mul3A_213, %add3A_214 : i32
      %dma_wait3A_216 = arith.constant 0 : i32
      %dma_wait3A_217 = tpu.memref_slice %arg3[%mul3A_2, %dma_wait3A_216] : memref<8192x1024xf32, #tpu.memory_space<hbm>> -> memref<8x1024xf32, #tpu.memory_space<hbm>>
      %dma_wait3A_218 = arith.constant 0 : i32
      %dma_wait3A_219 = tpu.memref_slice %arg3[%mul3A_2, %dma_wait3A_218] : memref<8192x1024xf32, #tpu.memory_space<hbm>> -> memref<8x1024xf32, #tpu.memory_space<hbm>>
      tpu.wait_dma2 semaphore(%arg10 : memref<!tpu.dma_semaphore, #tpu.memory_space<semaphore_mem>>) src(%dma_wait3A_219 : memref<8x1024xf32, #tpu.memory_space<hbm>>) dst(%arg8 : memref<8x1024xf32, #tpu.memory_space<vmem>>)
      %dma_wait3A_220 = arith.constant 0 : i32
      %dma_wait3A_221 = arith.constant 0 : i32
      %dma_wait3A_222 = tpu.memref_slice %arg6[%dma_wait3A_220, %dma_wait3A_221] : memref<32x1024xf32, #tpu.memory_space<vmem>> -> memref<8x1024xf32, #tpu.memory_space<vmem>>
      %dma_wait3A_223 = arith.constant 0 : i32
      %dma_wait3A_224 = tpu.memref_slice %arg2[%mul3A_2, %dma_wait3A_223] : memref<32768x1024xf32, #tpu.memory_space<hbm>> -> memref<8x1024xf32, #tpu.memory_space<hbm>>
      %dma_wait3A_225 = arith.constant 0 : i32
      %dma_wait3A_226 = arith.constant 0 : i32
      %dma_wait3A_227 = tpu.memref_slice %arg6[%dma_wait3A_225, %dma_wait3A_226] : memref<32x1024xf32, #tpu.memory_space<vmem>> -> memref<8x1024xf32, #tpu.memory_space<vmem>>
      %dma_wait3A_228 = arith.constant 0 : i32
      %dma_wait3A_229 = tpu.memref_slice %arg2[%mul3A_2, %dma_wait3A_228] : memref<32768x1024xf32, #tpu.memory_space<hbm>> -> memref<8x1024xf32, #tpu.memory_space<hbm>>
      tpu.wait_dma2 semaphore(%arg10 : memref<!tpu.dma_semaphore, #tpu.memory_space<semaphore_mem>>) src(%dma_wait3A_229 : memref<8x1024xf32, #tpu.memory_space<hbm>>) dst(%dma_wait3A_227 : memref<8x1024xf32, #tpu.memory_space<vmem>>)
      %dma_wait3A_230 = arith.constant 8 : i32
      %dma_wait3A_231 = arith.constant 0 : i32
      %dma_wait3A_232 = tpu.memref_slice %arg6[%dma_wait3A_230, %dma_wait3A_231] : memref<32x1024xf32, #tpu.memory_space<vmem>> -> memref<8x1024xf32, #tpu.memory_space<vmem>>
      %dma_wait3A_233 = arith.constant 0 : i32
      %dma_wait3A_234 = tpu.memref_slice %arg2[%mul3A_2, %dma_wait3A_233] : memref<32768x1024xf32, #tpu.memory_space<hbm>> -> memref<8x1024xf32, #tpu.memory_space<hbm>>
      %dma_wait3A_235 = arith.constant 8 : i32
      %dma_wait3A_236 = arith.constant 0 : i32
      %dma_wait3A_237 = tpu.memref_slice %arg6[%dma_wait3A_235, %dma_wait3A_236] : memref<32x1024xf32, #tpu.memory_space<vmem>> -> memref<8x1024xf32, #tpu.memory_space<vmem>>
      %dma_wait3A_238 = arith.constant 0 : i32
      %dma_wait3A_239 = tpu.memref_slice %arg2[%mul3A_2, %dma_wait3A_238] : memref<32768x1024xf32, #tpu.memory_space<hbm>> -> memref<8x1024xf32, #tpu.memory_space<hbm>>
      tpu.wait_dma2 semaphore(%arg10 : memref<!tpu.dma_semaphore, #tpu.memory_space<semaphore_mem>>) src(%dma_wait3A_239 : memref<8x1024xf32, #tpu.memory_space<hbm>>) dst(%dma_wait3A_237 : memref<8x1024xf32, #tpu.memory_space<vmem>>)
      %dma_wait3A_240 = arith.constant 16 : i32
      %dma_wait3A_241 = arith.constant 0 : i32
      %dma_wait3A_242 = tpu.memref_slice %arg6[%dma_wait3A_240, %dma_wait3A_241] : memref<32x1024xf32, #tpu.memory_space<vmem>> -> memref<8x1024xf32, #tpu.memory_space<vmem>>
      %dma_wait3A_243 = arith.constant 0 : i32
      %dma_wait3A_244 = tpu.memref_slice %arg2[%mul3A_2, %dma_wait3A_243] : memref<32768x1024xf32, #tpu.memory_space<hbm>> -> memref<8x1024xf32, #tpu.memory_space<hbm>>
      %dma_wait3A_245 = arith.constant 16 : i32
      %dma_wait3A_246 = arith.constant 0 : i32
      %dma_wait3A_247 = tpu.memref_slice %arg6[%dma_wait3A_245, %dma_wait3A_246] : memref<32x1024xf32, #tpu.memory_space<vmem>> -> memref<8x1024xf32, #tpu.memory_space<vmem>>
      %dma_wait3A_248 = arith.constant 0 : i32
      %dma_wait3A_249 = tpu.memref_slice %arg2[%mul3A_2, %dma_wait3A_248] : memref<32768x1024xf32, #tpu.memory_space<hbm>> -> memref<8x1024xf32, #tpu.memory_space<hbm>>
      tpu.wait_dma2 semaphore(%arg10 : memref<!tpu.dma_semaphore, #tpu.memory_space<semaphore_mem>>) src(%dma_wait3A_249 : memref<8x1024xf32, #tpu.memory_space<hbm>>) dst(%dma_wait3A_247 : memref<8x1024xf32, #tpu.memory_space<vmem>>)
      %dma_wait3A_250 = arith.constant 24 : i32
      %dma_wait3A_251 = arith.constant 0 : i32
      %dma_wait3A_252 = tpu.memref_slice %arg6[%dma_wait3A_250, %dma_wait3A_251] : memref<32x1024xf32, #tpu.memory_space<vmem>> -> memref<8x1024xf32, #tpu.memory_space<vmem>>
      %dma_wait3A_253 = arith.constant 0 : i32
      %dma_wait3A_254 = tpu.memref_slice %arg2[%mul3A_2, %dma_wait3A_253] : memref<32768x1024xf32, #tpu.memory_space<hbm>> -> memref<8x1024xf32, #tpu.memory_space<hbm>>
      %dma_wait3A_255 = arith.constant 24 : i32
      %dma_wait3A_256 = arith.constant 0 : i32
      %dma_wait3A_257 = tpu.memref_slice %arg6[%dma_wait3A_255, %dma_wait3A_256] : memref<32x1024xf32, #tpu.memory_space<vmem>> -> memref<8x1024xf32, #tpu.memory_space<vmem>>
      %dma_wait3A_258 = arith.constant 0 : i32
      %dma_wait3A_259 = tpu.memref_slice %arg2[%mul3A_2, %dma_wait3A_258] : memref<32768x1024xf32, #tpu.memory_space<hbm>> -> memref<8x1024xf32, #tpu.memory_space<hbm>>
      tpu.wait_dma2 semaphore(%arg10 : memref<!tpu.dma_semaphore, #tpu.memory_space<semaphore_mem>>) src(%dma_wait3A_259 : memref<8x1024xf32, #tpu.memory_space<hbm>>) dst(%dma_wait3A_257 : memref<8x1024xf32, #tpu.memory_space<vmem>>)
      %ge3A_260 = arith.constant 1 : i32
      %ge3A_261 = arith.cmpi sge, %add3A_215, %ge3A_260 : i32
      %convert_element_type3A_262 = arith.extui %ge3A_261 : i1 to i32
      %cond3A_263 = arith.constant 0 : i32
      %cond3A_264 = arith.cmpi ne, %convert_element_type3A_262, %cond3A_263 : i32
      scf.if %cond3A_264 {
        %dma_wait3A_327 = arith.constant 0 : i32
        %dma_wait3A_328 = arith.constant 0 : i32
        %dma_wait3A_329 = tpu.memref_slice %arg5[%dma_wait3A_327, %dma_wait3A_328] : memref<32x1024xf32, #tpu.memory_space<vmem>> -> memref<8x1024xf32, #tpu.memory_space<vmem>>
        %dma_wait3A_330 = arith.constant 0 : i32
        %dma_wait3A_331 = tpu.memref_slice %arg4[%mul3A_2, %dma_wait3A_330] : memref<32768x1024xf32, #tpu.memory_space<hbm>> -> memref<8x1024xf32, #tpu.memory_space<hbm>>
        %dma_wait3A_332 = arith.constant 0 : i32
        %dma_wait3A_333 = tpu.memref_slice %arg4[%mul3A_2, %dma_wait3A_332] : memref<32768x1024xf32, #tpu.memory_space<hbm>> -> memref<8x1024xf32, #tpu.memory_space<hbm>>
        %dma_wait3A_334 = arith.constant 0 : i32
        %dma_wait3A_335 = arith.constant 0 : i32
        %dma_wait3A_336 = tpu.memref_slice %arg5[%dma_wait3A_334, %dma_wait3A_335] : memref<32x1024xf32, #tpu.memory_space<vmem>> -> memref<8x1024xf32, #tpu.memory_space<vmem>>
        tpu.wait_dma2 semaphore(%arg11 : memref<!tpu.dma_semaphore, #tpu.memory_space<semaphore_mem>>) src(%dma_wait3A_336 : memref<8x1024xf32, #tpu.memory_space<vmem>>) dst(%dma_wait3A_333 : memref<8x1024xf32, #tpu.memory_space<hbm>>)
        %dma_wait3A_337 = arith.constant 8 : i32
        %dma_wait3A_338 = arith.constant 0 : i32
        %dma_wait3A_339 = tpu.memref_slice %arg5[%dma_wait3A_337, %dma_wait3A_338] : memref<32x1024xf32, #tpu.memory_space<vmem>> -> memref<8x1024xf32, #tpu.memory_space<vmem>>
        %dma_wait3A_340 = arith.constant 0 : i32
        %dma_wait3A_341 = tpu.memref_slice %arg4[%mul3A_2, %dma_wait3A_340] : memref<32768x1024xf32, #tpu.memory_space<hbm>> -> memref<8x1024xf32, #tpu.memory_space<hbm>>
        %dma_wait3A_342 = arith.constant 0 : i32
        %dma_wait3A_343 = tpu.memref_slice %arg4[%mul3A_2, %dma_wait3A_342] : memref<32768x1024xf32, #tpu.memory_space<hbm>> -> memref<8x1024xf32, #tpu.memory_space<hbm>>
        %dma_wait3A_344 = arith.constant 8 : i32
        %dma_wait3A_345 = arith.constant 0 : i32
        %dma_wait3A_346 = tpu.memref_slice %arg5[%dma_wait3A_344, %dma_wait3A_345] : memref<32x1024xf32, #tpu.memory_space<vmem>> -> memref<8x1024xf32, #tpu.memory_space<vmem>>
        tpu.wait_dma2 semaphore(%arg11 : memref<!tpu.dma_semaphore, #tpu.memory_space<semaphore_mem>>) src(%dma_wait3A_346 : memref<8x1024xf32, #tpu.memory_space<vmem>>) dst(%dma_wait3A_343 : memref<8x1024xf32, #tpu.memory_space<hbm>>)
        %dma_wait3A_347 = arith.constant 16 : i32
        %dma_wait3A_348 = arith.constant 0 : i32
        %dma_wait3A_349 = tpu.memref_slice %arg5[%dma_wait3A_347, %dma_wait3A_348] : memref<32x1024xf32, #tpu.memory_space<vmem>> -> memref<8x1024xf32, #tpu.memory_space<vmem>>
        %dma_wait3A_350 = arith.constant 0 : i32
        %dma_wait3A_351 = tpu.memref_slice %arg4[%mul3A_2, %dma_wait3A_350] : memref<32768x1024xf32, #tpu.memory_space<hbm>> -> memref<8x1024xf32, #tpu.memory_space<hbm>>
        %dma_wait3A_352 = arith.constant 0 : i32
        %dma_wait3A_353 = tpu.memref_slice %arg4[%mul3A_2, %dma_wait3A_352] : memref<32768x1024xf32, #tpu.memory_space<hbm>> -> memref<8x1024xf32, #tpu.memory_space<hbm>>
        %dma_wait3A_354 = arith.constant 16 : i32
        %dma_wait3A_355 = arith.constant 0 : i32
        %dma_wait3A_356 = tpu.memref_slice %arg5[%dma_wait3A_354, %dma_wait3A_355] : memref<32x1024xf32, #tpu.memory_space<vmem>> -> memref<8x1024xf32, #tpu.memory_space<vmem>>
        tpu.wait_dma2 semaphore(%arg11 : memref<!tpu.dma_semaphore, #tpu.memory_space<semaphore_mem>>) src(%dma_wait3A_356 : memref<8x1024xf32, #tpu.memory_space<vmem>>) dst(%dma_wait3A_353 : memref<8x1024xf32, #tpu.memory_space<hbm>>)
        %dma_wait3A_357 = arith.constant 24 : i32
        %dma_wait3A_358 = arith.constant 0 : i32
        %dma_wait3A_359 = tpu.memref_slice %arg5[%dma_wait3A_357, %dma_wait3A_358] : memref<32x1024xf32, #tpu.memory_space<vmem>> -> memref<8x1024xf32, #tpu.memory_space<vmem>>
        %dma_wait3A_360 = arith.constant 0 : i32
        %dma_wait3A_361 = tpu.memref_slice %arg4[%mul3A_2, %dma_wait3A_360] : memref<32768x1024xf32, #tpu.memory_space<hbm>> -> memref<8x1024xf32, #tpu.memory_space<hbm>>
        %dma_wait3A_362 = arith.constant 0 : i32
        %dma_wait3A_363 = tpu.memref_slice %arg4[%mul3A_2, %dma_wait3A_362] : memref<32768x1024xf32, #tpu.memory_space<hbm>> -> memref<8x1024xf32, #tpu.memory_space<hbm>>
        %dma_wait3A_364 = arith.constant 24 : i32
        %dma_wait3A_365 = arith.constant 0 : i32
        %dma_wait3A_366 = tpu.memref_slice %arg5[%dma_wait3A_364, %dma_wait3A_365] : memref<32x1024xf32, #tpu.memory_space<vmem>> -> memref<8x1024xf32, #tpu.memory_space<vmem>>
        tpu.wait_dma2 semaphore(%arg11 : memref<!tpu.dma_semaphore, #tpu.memory_space<semaphore_mem>>) src(%dma_wait3A_366 : memref<8x1024xf32, #tpu.memory_space<vmem>>) dst(%dma_wait3A_363 : memref<8x1024xf32, #tpu.memory_space<hbm>>)
      } else {
      }
      %add3A_265 = arith.constant 1 : i32
      %add3A_266 = arith.addi %add3A_215, %add3A_265 : i32
      %lt3A_267 = arith.constant 32 : i32
      %lt3A_268 = arith.cmpi slt, %add3A_266, %lt3A_267 : i32
      %convert_element_type3A_269 = arith.extui %lt3A_268 : i1 to i32
      %cond3A_270 = arith.constant 0 : i32
      %cond3A_271 = arith.cmpi ne, %convert_element_type3A_269, %cond3A_270 : i32
      scf.if %cond3A_271 {
        %add3A_327 = arith.constant 1 : i32
        %add3A_328 = arith.addi %add3A_215, %add3A_327 : i32
        %mul3A_329 = arith.constant 8 : i32
        %mul3A_330 = arith.muli %add3A_328, %mul3A_329 : i32
        %add3A_331 = arith.addi %mul3A_2, %mul3A_330 : i32
        %dma_start3A_332 = arith.constant 0 : i32
        %dma_start3A_333 = tpu.memref_slice %arg3[%add3A_331, %dma_start3A_332] : memref<8192x1024xf32, #tpu.memory_space<hbm>> -> memref<8x1024xf32, #tpu.memory_space<hbm>>
        %dma_start3A_334 = arith.constant 0 : i32
        %dma_start3A_335 = tpu.memref_slice %arg3[%add3A_331, %dma_start3A_334] : memref<8192x1024xf32, #tpu.memory_space<hbm>> -> memref<8x1024xf32, #tpu.memory_space<hbm>>
        tpu.enqueue_dma source(%dma_start3A_335 : memref<8x1024xf32, #tpu.memory_space<hbm>>) target(%arg7 : memref<8x1024xf32, #tpu.memory_space<vmem>>) target_semaphore(%arg9 : memref<!tpu.dma_semaphore, #tpu.memory_space<semaphore_mem>>)
        %add3A_336 = arith.constant 0 : i32
        %add3A_337 = arith.addi %add3A_336, %add3A_331 : i32
        %dma_start3A_338 = arith.constant 0 : i32
        %dma_start3A_339 = arith.constant 0 : i32
        %dma_start3A_340 = tpu.memref_slice %arg5[%dma_start3A_338, %dma_start3A_339] : memref<32x1024xf32, #tpu.memory_space<vmem>> -> memref<8x1024xf32, #tpu.memory_space<vmem>>
        %dma_start3A_341 = arith.constant 0 : i32
        %dma_start3A_342 = tpu.memref_slice %arg2[%add3A_337, %dma_start3A_341] : memref<32768x1024xf32, #tpu.memory_space<hbm>> -> memref<8x1024xf32, #tpu.memory_space<hbm>>
        %dma_start3A_343 = arith.constant 0 : i32
        %dma_start3A_344 = arith.constant 0 : i32
        %dma_start3A_345 = tpu.memref_slice %arg5[%dma_start3A_343, %dma_start3A_344] : memref<32x1024xf32, #tpu.memory_space<vmem>> -> memref<8x1024xf32, #tpu.memory_space<vmem>>
        %dma_start3A_346 = arith.constant 0 : i32
        %dma_start3A_347 = tpu.memref_slice %arg2[%add3A_337, %dma_start3A_346] : memref<32768x1024xf32, #tpu.memory_space<hbm>> -> memref<8x1024xf32, #tpu.memory_space<hbm>>
        tpu.enqueue_dma source(%dma_start3A_347 : memref<8x1024xf32, #tpu.memory_space<hbm>>) target(%dma_start3A_345 : memref<8x1024xf32, #tpu.memory_space<vmem>>) target_semaphore(%arg9 : memref<!tpu.dma_semaphore, #tpu.memory_space<semaphore_mem>>)
        %add3A_348 = arith.constant 8192 : i32
        %add3A_349 = arith.addi %add3A_348, %add3A_331 : i32
        %dma_start3A_350 = arith.constant 8 : i32
        %dma_start3A_351 = arith.constant 0 : i32
        %dma_start3A_352 = tpu.memref_slice %arg5[%dma_start3A_350, %dma_start3A_351] : memref<32x1024xf32, #tpu.memory_space<vmem>> -> memref<8x1024xf32, #tpu.memory_space<vmem>>
        %dma_start3A_353 = arith.constant 0 : i32
        %dma_start3A_354 = tpu.memref_slice %arg2[%add3A_349, %dma_start3A_353] : memref<32768x1024xf32, #tpu.memory_space<hbm>> -> memref<8x1024xf32, #tpu.memory_space<hbm>>
        %dma_start3A_355 = arith.constant 8 : i32
        %dma_start3A_356 = arith.constant 0 : i32
        %dma_start3A_357 = tpu.memref_slice %arg5[%dma_start3A_355, %dma_start3A_356] : memref<32x1024xf32, #tpu.memory_space<vmem>> -> memref<8x1024xf32, #tpu.memory_space<vmem>>
        %dma_start3A_358 = arith.constant 0 : i32
        %dma_start3A_359 = tpu.memref_slice %arg2[%add3A_349, %dma_start3A_358] : memref<32768x1024xf32, #tpu.memory_space<hbm>> -> memref<8x1024xf32, #tpu.memory_space<hbm>>
        tpu.enqueue_dma source(%dma_start3A_359 : memref<8x1024xf32, #tpu.memory_space<hbm>>) target(%dma_start3A_357 : memref<8x1024xf32, #tpu.memory_space<vmem>>) target_semaphore(%arg9 : memref<!tpu.dma_semaphore, #tpu.memory_space<semaphore_mem>>)
        %add3A_360 = arith.constant 16384 : i32
        %add3A_361 = arith.addi %add3A_360, %add3A_331 : i32
        %dma_start3A_362 = arith.constant 16 : i32
        %dma_start3A_363 = arith.constant 0 : i32
        %dma_start3A_364 = tpu.memref_slice %arg5[%dma_start3A_362, %dma_start3A_363] : memref<32x1024xf32, #tpu.memory_space<vmem>> -> memref<8x1024xf32, #tpu.memory_space<vmem>>
        %dma_start3A_365 = arith.constant 0 : i32
        %dma_start3A_366 = tpu.memref_slice %arg2[%add3A_361, %dma_start3A_365] : memref<32768x1024xf32, #tpu.memory_space<hbm>> -> memref<8x1024xf32, #tpu.memory_space<hbm>>
        %dma_start3A_367 = arith.constant 16 : i32
        %dma_start3A_368 = arith.constant 0 : i32
        %dma_start3A_369 = tpu.memref_slice %arg5[%dma_start3A_367, %dma_start3A_368] : memref<32x1024xf32, #tpu.memory_space<vmem>> -> memref<8x1024xf32, #tpu.memory_space<vmem>>
        %dma_start3A_370 = arith.constant 0 : i32
        %dma_start3A_371 = tpu.memref_slice %arg2[%add3A_361, %dma_start3A_370] : memref<32768x1024xf32, #tpu.memory_space<hbm>> -> memref<8x1024xf32, #tpu.memory_space<hbm>>
        tpu.enqueue_dma source(%dma_start3A_371 : memref<8x1024xf32, #tpu.memory_space<hbm>>) target(%dma_start3A_369 : memref<8x1024xf32, #tpu.memory_space<vmem>>) target_semaphore(%arg9 : memref<!tpu.dma_semaphore, #tpu.memory_space<semaphore_mem>>)
        %add3A_372 = arith.constant 24576 : i32
        %add3A_373 = arith.addi %add3A_372, %add3A_331 : i32
        %dma_start3A_374 = arith.constant 24 : i32
        %dma_start3A_375 = arith.constant 0 : i32
        %dma_start3A_376 = tpu.memref_slice %arg5[%dma_start3A_374, %dma_start3A_375] : memref<32x1024xf32, #tpu.memory_space<vmem>> -> memref<8x1024xf32, #tpu.memory_space<vmem>>
        %dma_start3A_377 = arith.constant 0 : i32
        %dma_start3A_378 = tpu.memref_slice %arg2[%add3A_373, %dma_start3A_377] : memref<32768x1024xf32, #tpu.memory_space<hbm>> -> memref<8x1024xf32, #tpu.memory_space<hbm>>
        %dma_start3A_379 = arith.constant 24 : i32
        %dma_start3A_380 = arith.constant 0 : i32
        %dma_start3A_381 = tpu.memref_slice %arg5[%dma_start3A_379, %dma_start3A_380] : memref<32x1024xf32, #tpu.memory_space<vmem>> -> memref<8x1024xf32, #tpu.memory_space<vmem>>
        %dma_start3A_382 = arith.constant 0 : i32
        %dma_start3A_383 = tpu.memref_slice %arg2[%add3A_373, %dma_start3A_382] : memref<32768x1024xf32, #tpu.memory_space<hbm>> -> memref<8x1024xf32, #tpu.memory_space<hbm>>
        tpu.enqueue_dma source(%dma_start3A_383 : memref<8x1024xf32, #tpu.memory_space<hbm>>) target(%dma_start3A_381 : memref<8x1024xf32, #tpu.memory_space<vmem>>) target_semaphore(%arg9 : memref<!tpu.dma_semaphore, #tpu.memory_space<semaphore_mem>>)
      } else {
      }
      %parallel_loop3A_272 = arith.constant 0 : i32
      %parallel_loop3A_273 = arith.constant 2048 : i32
      %parallel_loop3A_274 = arith.constant 1 : i32
      scf.for %parallel_loop3A_327 = %parallel_loop3A_272 to %parallel_loop3A_273 step %parallel_loop3A_274  : i32 {
        %parallel_loop3A_328 = arith.constant 6 : i32
        %parallel_loop3A_329 = arith.shrui %parallel_loop3A_327, %parallel_loop3A_328 : i32
        %parallel_loop3A_330 = arith.constant 7 : i32
        %parallel_loop3A_331 = arith.andi %parallel_loop3A_329, %parallel_loop3A_330 : i32
        %parallel_loop3A_332 = arith.constant 63 : i32
        %parallel_loop3A_333 = arith.andi %parallel_loop3A_327, %parallel_loop3A_332 : i32
        %parallel_loop3A_334 = arith.constant 4 : i32
        %parallel_loop3A_335 = arith.shli %parallel_loop3A_333, %parallel_loop3A_334 : i32
        %parallel_loop3A_336 = tpu.assume_multiple %parallel_loop3A_335, 16 : i32
        %parallel_loop3A_337 = arith.index_cast %parallel_loop3A_329 : i32 to index
        %parallel_loop3A_338 = arith.index_cast %parallel_loop3A_336 : i32 to index
        %parallel_loop3A_339 = tpu.vector_load %arg6[%parallel_loop3A_337, %parallel_loop3A_338] {strides = array<i32>} : memref<32x1024xf32, #tpu.memory_space<vmem>>, vector<1x16xf32>,
        %parallel_loop3A_340 = vector.shape_cast %parallel_loop3A_339 : vector<1x16xf32> to vector<16xf32>
        %parallel_loop3A_341 = arith.index_cast %parallel_loop3A_331 : i32 to index
        %parallel_loop3A_342 = arith.index_cast %parallel_loop3A_336 : i32 to index
        %parallel_loop3A_343 = tpu.vector_load %arg8[%parallel_loop3A_341, %parallel_loop3A_342] {strides = array<i32>} : memref<8x1024xf32, #tpu.memory_space<vmem>>, vector<1x16xf32>,
        %parallel_loop3A_344 = vector.shape_cast %parallel_loop3A_343 : vector<1x16xf32> to vector<16xf32>
        %parallel_loop3A_345 = arith.addf %parallel_loop3A_340, %parallel_loop3A_344 : vector<16xf32>
        %parallel_loop3A_346 = arith.index_cast %parallel_loop3A_329 : i32 to index
        %parallel_loop3A_347 = arith.index_cast %parallel_loop3A_336 : i32 to index
        %parallel_loop3A_348 = tpu.vector_load %arg6[%parallel_loop3A_346, %parallel_loop3A_347] {strides = array<i32>} : memref<32x1024xf32, #tpu.memory_space<vmem>>, vector<1x16xf32>,
        %parallel_loop3A_349 = vector.shape_cast %parallel_loop3A_348 : vector<1x16xf32> to vector<16xf32>
        %parallel_loop3A_350 = vector.shape_cast %parallel_loop3A_345 : vector<16xf32> to vector<1x16xf32>
        tpu.vector_store %arg6[%parallel_loop3A_346, %parallel_loop3A_347], %parallel_loop3A_350 {strides = array<i32>} : memref<32x1024xf32, #tpu.memory_space<vmem>>, vector<1x16xf32>,
      } {sc.loop_unroll_factor = 8 : i64, sc.parallel_access}
      %mul3A_275 = arith.constant 8 : i32
      %mul3A_276 = arith.muli %add3A_215, %mul3A_275 : i32
      %add3A_277 = arith.addi %mul3A_2, %mul3A_276 : i32
      %add3A_278 = arith.constant 0 : i32
      %add3A_279 = arith.addi %add3A_278, %add3A_277 : i32
      %dma_start3A_280 = arith.constant 0 : i32
      %dma_start3A_281 = arith.constant 0 : i32
      %dma_start3A_282 = tpu.memref_slice %arg6[%dma_start3A_280, %dma_start3A_281] : memref<32x1024xf32, #tpu.memory_space<vmem>> -> memref<8x1024xf32, #tpu.memory_space<vmem>>
      %dma_start3A_283 = arith.constant 0 : i32
      %dma_start3A_284 = tpu.memref_slice %arg4[%add3A_279, %dma_start3A_283] : memref<32768x1024xf32, #tpu.memory_space<hbm>> -> memref<8x1024xf32, #tpu.memory_space<hbm>>
      %dma_start3A_285 = arith.constant 0 : i32
      %dma_start3A_286 = tpu.memref_slice %arg4[%add3A_279, %dma_start3A_285] : memref<32768x1024xf32, #tpu.memory_space<hbm>> -> memref<8x1024xf32, #tpu.memory_space<hbm>>
      %dma_start3A_287 = arith.constant 0 : i32
      %dma_start3A_288 = arith.constant 0 : i32
      %dma_start3A_289 = tpu.memref_slice %arg6[%dma_start3A_287, %dma_start3A_288] : memref<32x1024xf32, #tpu.memory_space<vmem>> -> memref<8x1024xf32, #tpu.memory_space<vmem>>
      tpu.enqueue_dma source(%dma_start3A_289 : memref<8x1024xf32, #tpu.memory_space<vmem>>) target(%dma_start3A_286 : memref<8x1024xf32, #tpu.memory_space<hbm>>) target_semaphore(%arg12 : memref<!tpu.dma_semaphore, #tpu.memory_space<semaphore_mem>>)
      %add3A_290 = arith.constant 8192 : i32
      %add3A_291 = arith.addi %add3A_290, %add3A_277 : i32
      %dma_start3A_292 = arith.constant 8 : i32
      %dma_start3A_293 = arith.constant 0 : i32
      %dma_start3A_294 = tpu.memref_slice %arg6[%dma_start3A_292, %dma_start3A_293] : memref<32x1024xf32, #tpu.memory_space<vmem>> -> memref<8x1024xf32, #tpu.memory_space<vmem>>
      %dma_start3A_295 = arith.constant 0 : i32
      %dma_start3A_296 = tpu.memref_slice %arg4[%add3A_291, %dma_start3A_295] : memref<32768x1024xf32, #tpu.memory_space<hbm>> -> memref<8x1024xf32, #tpu.memory_space<hbm>>
      %dma_start3A_297 = arith.constant 0 : i32
      %dma_start3A_298 = tpu.memref_slice %arg4[%add3A_291, %dma_start3A_297] : memref<32768x1024xf32, #tpu.memory_space<hbm>> -> memref<8x1024xf32, #tpu.memory_space<hbm>>
      %dma_start3A_299 = arith.constant 8 : i32
      %dma_start3A_300 = arith.constant 0 : i32
      %dma_start3A_301 = tpu.memref_slice %arg6[%dma_start3A_299, %dma_start3A_300] : memref<32x1024xf32, #tpu.memory_space<vmem>> -> memref<8x1024xf32, #tpu.memory_space<vmem>>
      tpu.enqueue_dma source(%dma_start3A_301 : memref<8x1024xf32, #tpu.memory_space<vmem>>) target(%dma_start3A_298 : memref<8x1024xf32, #tpu.memory_space<hbm>>) target_semaphore(%arg12 : memref<!tpu.dma_semaphore, #tpu.memory_space<semaphore_mem>>)
      %add3A_302 = arith.constant 16384 : i32
      %add3A_303 = arith.addi %add3A_302, %add3A_277 : i32
      %dma_start3A_304 = arith.constant 16 : i32
      %dma_start3A_305 = arith.constant 0 : i32
      %dma_start3A_306 = tpu.memref_slice %arg6[%dma_start3A_304, %dma_start3A_305] : memref<32x1024xf32, #tpu.memory_space<vmem>> -> memref<8x1024xf32, #tpu.memory_space<vmem>>
      %dma_start3A_307 = arith.constant 0 : i32
      %dma_start3A_308 = tpu.memref_slice %arg4[%add3A_303, %dma_start3A_307] : memref<32768x1024xf32, #tpu.memory_space<hbm>> -> memref<8x1024xf32, #tpu.memory_space<hbm>>
      %dma_start3A_309 = arith.constant 0 : i32
      %dma_start3A_310 = tpu.memref_slice %arg4[%add3A_303, %dma_start3A_309] : memref<32768x1024xf32, #tpu.memory_space<hbm>> -> memref<8x1024xf32, #tpu.memory_space<hbm>>
      %dma_start3A_311 = arith.constant 16 : i32
      %dma_start3A_312 = arith.constant 0 : i32
      %dma_start3A_313 = tpu.memref_slice %arg6[%dma_start3A_311, %dma_start3A_312] : memref<32x1024xf32, #tpu.memory_space<vmem>> -> memref<8x1024xf32, #tpu.memory_space<vmem>>
      tpu.enqueue_dma source(%dma_start3A_313 : memref<8x1024xf32, #tpu.memory_space<vmem>>) target(%dma_start3A_310 : memref<8x1024xf32, #tpu.memory_space<hbm>>) target_semaphore(%arg12 : memref<!tpu.dma_semaphore, #tpu.memory_space<semaphore_mem>>)
      %add3A_314 = arith.constant 24576 : i32
      %add3A_315 = arith.addi %add3A_314, %add3A_277 : i32
      %dma_start3A_316 = arith.constant 24 : i32
      %dma_start3A_317 = arith.constant 0 : i32
      %dma_start3A_318 = tpu.memref_slice %arg6[%dma_start3A_316, %dma_start3A_317] : memref<32x1024xf32, #tpu.memory_space<vmem>> -> memref<8x1024xf32, #tpu.memory_space<vmem>>
      %dma_start3A_319 = arith.constant 0 : i32
      %dma_start3A_320 = tpu.memref_slice %arg4[%add3A_315, %dma_start3A_319] : memref<32768x1024xf32, #tpu.memory_space<hbm>> -> memref<8x1024xf32, #tpu.memory_space<hbm>>
      %dma_start3A_321 = arith.constant 0 : i32
      %dma_start3A_322 = tpu.memref_slice %arg4[%add3A_315, %dma_start3A_321] : memref<32768x1024xf32, #tpu.memory_space<hbm>> -> memref<8x1024xf32, #tpu.memory_space<hbm>>
      %dma_start3A_323 = arith.constant 24 : i32
      %dma_start3A_324 = arith.constant 0 : i32
      %dma_start3A_325 = tpu.memref_slice %arg6[%dma_start3A_323, %dma_start3A_324] : memref<32x1024xf32, #tpu.memory_space<vmem>> -> memref<8x1024xf32, #tpu.memory_space<vmem>>
      tpu.enqueue_dma source(%dma_start3A_325 : memref<8x1024xf32, #tpu.memory_space<vmem>>) target(%dma_start3A_322 : memref<8x1024xf32, #tpu.memory_space<hbm>>) target_semaphore(%arg12 : memref<!tpu.dma_semaphore, #tpu.memory_space<semaphore_mem>>)
      %scan3A_326 = arith.constant 0 : i32
      scf.yield %scan3A_326 : i32
    }
    %scan3A_61 = arith.constant 16 : i32
    %dma_wait3A = arith.constant 0 : i32
    %dma_wait3A_62 = arith.constant 0 : i32
    %dma_wait3A_63 = tpu.memref_slice %arg6[%dma_wait3A, %dma_wait3A_62] : memref<32x1024xf32, #tpu.memory_space<vmem>> -> memref<8x1024xf32, #tpu.memory_space<vmem>>
    %dma_wait3A_64 = arith.constant 0 : i32
    %dma_wait3A_65 = tpu.memref_slice %arg4[%mul3A_2, %dma_wait3A_64] : memref<32768x1024xf32, #tpu.memory_space<hbm>> -> memref<8x1024xf32, #tpu.memory_space<hbm>>
    %dma_wait3A_66 = arith.constant 0 : i32
    %dma_wait3A_67 = tpu.memref_slice %arg4[%mul3A_2, %dma_wait3A_66] : memref<32768x1024xf32, #tpu.memory_space<hbm>> -> memref<8x1024xf32, #tpu.memory_space<hbm>>
    %dma_wait3A_68 = arith.constant 0 : i32
    %dma_wait3A_69 = arith.constant 0 : i32
    %dma_wait3A_70 = tpu.memref_slice %arg6[%dma_wait3A_68, %dma_wait3A_69] : memref<32x1024xf32, #tpu.memory_space<vmem>> -> memref<8x1024xf32, #tpu.memory_space<vmem>>
    tpu.wait_dma2 semaphore(%arg12 : memref<!tpu.dma_semaphore, #tpu.memory_space<semaphore_mem>>) src(%dma_wait3A_70 : memref<8x1024xf32, #tpu.memory_space<vmem>>) dst(%dma_wait3A_67 : memref<8x1024xf32, #tpu.memory_space<hbm>>)
    %dma_wait3A_71 = arith.constant 8 : i32
    %dma_wait3A_72 = arith.constant 0 : i32
    %dma_wait3A_73 = tpu.memref_slice %arg6[%dma_wait3A_71, %dma_wait3A_72] : memref<32x1024xf32, #tpu.memory_space<vmem>> -> memref<8x1024xf32, #tpu.memory_space<vmem>>
    %dma_wait3A_74 = arith.constant 0 : i32
    %dma_wait3A_75 = tpu.memref_slice %arg4[%mul3A_2, %dma_wait3A_74] : memref<32768x1024xf32, #tpu.memory_space<hbm>> -> memref<8x1024xf32, #tpu.memory_space<hbm>>
    %dma_wait3A_76 = arith.constant 0 : i32
    %dma_wait3A_77 = tpu.memref_slice %arg4[%mul3A_2, %dma_wait3A_76] : memref<32768x1024xf32, #tpu.memory_space<hbm>> -> memref<8x1024xf32, #tpu.memory_space<hbm>>
    %dma_wait3A_78 = arith.constant 8 : i32
    %dma_wait3A_79 = arith.constant 0 : i32
    %dma_wait3A_80 = tpu.memref_slice %arg6[%dma_wait3A_78, %dma_wait3A_79] : memref<32x1024xf32, #tpu.memory_space<vmem>> -> memref<8x1024xf32, #tpu.memory_space<vmem>>
    tpu.wait_dma2 semaphore(%arg12 : memref<!tpu.dma_semaphore, #tpu.memory_space<semaphore_mem>>) src(%dma_wait3A_80 : memref<8x1024xf32, #tpu.memory_space<vmem>>) dst(%dma_wait3A_77 : memref<8x1024xf32, #tpu.memory_space<hbm>>)
    %dma_wait3A_81 = arith.constant 16 : i32
    %dma_wait3A_82 = arith.constant 0 : i32
    %dma_wait3A_83 = tpu.memref_slice %arg6[%dma_wait3A_81, %dma_wait3A_82] : memref<32x1024xf32, #tpu.memory_space<vmem>> -> memref<8x1024xf32, #tpu.memory_space<vmem>>
    %dma_wait3A_84 = arith.constant 0 : i32
    %dma_wait3A_85 = tpu.memref_slice %arg4[%mul3A_2, %dma_wait3A_84] : memref<32768x1024xf32, #tpu.memory_space<hbm>> -> memref<8x1024xf32, #tpu.memory_space<hbm>>
    %dma_wait3A_86 = arith.constant 0 : i32
    %dma_wait3A_87 = tpu.memref_slice %arg4[%mul3A_2, %dma_wait3A_86] : memref<32768x1024xf32, #tpu.memory_space<hbm>> -> memref<8x1024xf32, #tpu.memory_space<hbm>>
    %dma_wait3A_88 = arith.constant 16 : i32
    %dma_wait3A_89 = arith.constant 0 : i32
    %dma_wait3A_90 = tpu.memref_slice %arg6[%dma_wait3A_88, %dma_wait3A_89] : memref<32x1024xf32, #tpu.memory_space<vmem>> -> memref<8x1024xf32, #tpu.memory_space<vmem>>
    tpu.wait_dma2 semaphore(%arg12 : memref<!tpu.dma_semaphore, #tpu.memory_space<semaphore_mem>>) src(%dma_wait3A_90 : memref<8x1024xf32, #tpu.memory_space<vmem>>) dst(%dma_wait3A_87 : memref<8x1024xf32, #tpu.memory_space<hbm>>)
    %dma_wait3A_91 = arith.constant 24 : i32
    %dma_wait3A_92 = arith.constant 0 : i32
    %dma_wait3A_93 = tpu.memref_slice %arg6[%dma_wait3A_91, %dma_wait3A_92] : memref<32x1024xf32, #tpu.memory_space<vmem>> -> memref<8x1024xf32, #tpu.memory_space<vmem>>
    %dma_wait3A_94 = arith.constant 0 : i32
    %dma_wait3A_95 = tpu.memref_slice %arg4[%mul3A_2, %dma_wait3A_94] : memref<32768x1024xf32, #tpu.memory_space<hbm>> -> memref<8x1024xf32, #tpu.memory_space<hbm>>
    %dma_wait3A_96 = arith.constant 0 : i32
    %dma_wait3A_97 = tpu.memref_slice %arg4[%mul3A_2, %dma_wait3A_96] : memref<32768x1024xf32, #tpu.memory_space<hbm>> -> memref<8x1024xf32, #tpu.memory_space<hbm>>
    %dma_wait3A_98 = arith.constant 24 : i32
    %dma_wait3A_99 = arith.constant 0 : i32
    %dma_wait3A_100 = tpu.memref_slice %arg6[%dma_wait3A_98, %dma_wait3A_99] : memref<32x1024xf32, #tpu.memory_space<vmem>> -> memref<8x1024xf32, #tpu.memory_space<vmem>>
    tpu.wait_dma2 semaphore(%arg12 : memref<!tpu.dma_semaphore, #tpu.memory_space<semaphore_mem>>) src(%dma_wait3A_100 : memref<8x1024xf32, #tpu.memory_space<vmem>>) dst(%dma_wait3A_97 : memref<8x1024xf32, #tpu.memory_space<hbm>>)
    return
  }
}

</mosaic_0001>

<sc_bundles>
// kernel: kernel.3.cloned.1.call-start
scs
__scs_entry_jumppad:
0x0: {  	(pc) =	sbr.rel $0x88, $3  }
0x1: {  	(tag) =	ssettag $0x0;
	lr =	simm.s32 $0x1  }
0x2: {  	[smem:$0x3F9F] =	sst lr;
	_ =	strace $0xD0000000  }
0x3: {  	_ = 	snop  }
0x4: {  	_ = 	snop  }
0x5: {  	_ = 	snop  }
0x6: {  	_ = 	snop  }
0x7: {  	_ = 	snop  }
__scs_overlays_trampoline_lowered:
0x8: {  	[smem:$0x3FAE] =	sst s0  }
0x9: {  	[smem:$0x3FAF] =	sst s1  }
0xa: {  	[smem:$0x3FB0] =	sst s2  }
0xb: {  	[smem:$0x3FB1] =	sst s3  }
0xc: {  	[smem:$0x3FB2] =	sst s4  }
0xd: {  	[smem:$0x3FB3] =	sst s5  }
0xe: {  	[smem:$0x3FB4] =	sst s6  }
0xf: {  	[smem:$0x3FB5] =	sst s7  }
0x10: {  	[smem:$0x3FB6] =	sst s8  }
0x11: {  	[smem:$0x3FB7] =	sst s9;
	s0 =	simm.s32 @!p0 $0x0  }
0x12: {  	s1 =	sld [smem:$0x3F9D];
	s0 =	simm.s32 @p0 $0x1  }
0x13: {  	[smem:$0x3FB8] =	sst s0;
	s0 =	simm.s32 @!p1 $0x0  }
0x14: {  	s2 =	sld [smem:$0x3F9C];
	s0 =	simm.s32 @p1 $0x1  }
0x15: {  	[smem:$0x3FB9] =	sst s0;
	s0 =	simm.s32 @!p2 $0x0  }
0x16: {  	s3 =	sld [smem:$0x3FDB];
	s0 =	simm.s32 @p2 $0x1  }
0x17: {  	s4 =	simm.s32 $0x1BF5;
	[smem:$0x3FBB] =	sst s0  }
0x18: {  	s0 =	sld [smem:$0x3F9E];
	_ =	swait.ge [sflag:s4], $0x0  }
0x19: {  	s7 =	sld [smem:$0x3F9F]  }
0x1a: {  	s8 =	sadd.s32 $0xFFFFE003, lr  }
0x1b: {  	s9 =	sadd.s32 $0xFFFFFEF7, lr;
	s5 =	simm.s32 $0xFFFFFFFF;
	p2 =	slt.u32 s8, $0xFFFFF086  }
0x1c: {  	p1 =	slt.u32 s9, $0xF7A;
	s5 =	simm.s32 @!p2 $0x0  }
0x1d: {  	s5 =	simm.s32 @p1 $0x1;
	p0 =	seq.s32 s7, s2  }
0x1e: {  	s7 =	smul.u32 @!p0 $0xF7A, s2;
	p2 =	seq.s32 @!p0 s5, $0x0  }
0x1f: {  	s9 =	smul.u32 $0xF7A, s1;
	s8 =	simm.s32 @!p0 $0x1BF5;
	p2 =	por !p2, p0  }
0x20: {  	[sflag:s8] =	ssyncset.s32 @!p0 $0xFFFFF086;
	s6 =	sadd.s32 @!p0 s3, s7;
	s7 =	simm.s32 @!p0 $0x108  }
0x21: {  	s3 =	sadd.s32 s3, s9;
	s6 =	sadd.s32 @!p0 $0x88, s6;
	s7 =	simm.s32 @p2 $0x1082  }
0x22: {  	[simem:s7], [sflag:s8] =	dma.local @!p0 [hbm:s6], $0xF7A  }
0x23: {  	s9 =	sor.u32 $0xD0000000, s2;
	s6 =	simm.s32 $0x108;
	_ =	swait.ge @!p0 [sflag:s8], $0x0  }
0x24: {  	s3 =	sadd.s32 $0x88, s3;
	s6 =	simm.s32 @!p1 $0x1082;
	[sflag:s4] =	ssyncset.s32 $0xFFFFF086  }
0x25: {  	[simem:s6], [sflag:s4] =	dma.local [hbm:s3], $0xF7A  }
0x26: {  	[smem:$0x3F9F] =	sst s1;
	(tag) =	ssettag s2;
	_ =	strace s9  }
0x27: {  	s1 =	sld [smem:$0x3FAF]  }
0x28: {  	s2 =	sld [smem:$0x3FB0]  }
0x29: {  	s4 =	sld [smem:$0x3FB2]  }
0x2a: {  	p0 =	seq.s32 s5, $0x0;
	s5 =	sld [smem:$0x3FB3]  }
0x2b: {  	s6 =	sld [smem:$0x3FB4]  }
0x2c: {  	s7 =	sld [smem:$0x3FB5]  }
0x2d: {  	s3 =	simm.s32 $0x108;
	s8 =	sld [smem:$0x3FB6]  }
0x2e: {  	s3 =	simm.s32 @!p0 $0x1082;
	s9 =	sld [smem:$0x3FB7]  }
0x2f: {  	lr =	sadd.s32 s0, s3;
	s0 =	sld [smem:$0x3FAE]  }
0x30: {  	s3 =	sld [smem:$0x3FB1]  }
0x31: {  	[smem:$0x3FBA] =	sst s10  }
0x32: {  	s10 =	sld [smem:$0x3FB8];
	_ =	sdelay $0x3  }
0x33: {  	p0 =	seq.s32 s10, $0x1;
	s10 =	sld [smem:$0x3FBA];
	_ =	sdelay $0x3  }
0x34: {  	[smem:$0x3FBA] =	sst s10  }
0x35: {  	s10 =	sld [smem:$0x3FB9];
	_ =	sdelay $0x3  }
0x36: {  	p1 =	seq.s32 s10, $0x1;
	s10 =	sld [smem:$0x3FBA];
	_ =	sdelay $0x3  }
0x37: {  	[smem:$0x3FBA] =	sst s10  }
0x38: {  	s10 =	sld [smem:$0x3FBB]  }
0x39: {  	_ = 	snop;
	(pc) =	sbr.ind lr, $3  }
0x3a: {  	_ = 	snop  }
0x3b: {  	_ = 	snop  }
0x3c: {  	p2 =	seq.s32 s10, $0x1;
	s10 =	sld [smem:$0x3FBA]  }
0x3d: {  	_ =	shalt  }
0x3e: {  	_ =	shalt  }
0x3f: {  	_ =	shalt  }
0x40: {  	_ =	shalt  }
0x41: {  	_ =	shalt  }
0x42: {  	_ =	shalt  }
0x43: {  	_ =	shalt  }
0x44: {  	_ =	shalt  }
0x45: {  	_ =	shalt  }
0x46: {  	_ =	shalt  }
0x47: {  	_ =	shalt  }
0x48: {  	_ =	shalt  }
0x49: {  	_ =	shalt  }
0x4a: {  	_ =	shalt  }
0x4b: {  	_ =	shalt  }
0x4c: {  	_ =	shalt  }
0x4d: {  	_ =	shalt  }
0x4e: {  	_ =	shalt  }
0x4f: {  	_ =	shalt  }
0x50: {  	_ =	shalt  }
0x51: {  	_ =	shalt  }
0x52: {  	_ =	shalt  }
0x53: {  	_ =	shalt  }
0x54: {  	_ =	shalt  }
0x55: {  	_ =	shalt  }
0x56: {  	_ =	shalt  }
0x57: {  	_ =	shalt  }
0x58: {  	_ =	shalt  }
0x59: {  	_ =	shalt  }
0x5a: {  	_ =	shalt  }
0x5b: {  	_ =	shalt  }
0x5c: {  	_ =	shalt  }
0x5d: {  	_ =	shalt  }
0x5e: {  	_ =	shalt  }
0x5f: {  	_ =	shalt  }
0x60: {  	_ =	shalt  }
0x61: {  	_ =	shalt  }
0x62: {  	_ =	shalt  }
0x63: {  	_ =	shalt  }
0x64: {  	_ =	shalt  }
0x65: {  	_ =	shalt  }
0x66: {  	_ =	shalt  }
0x67: {  	_ =	shalt  }
0x68: {  	_ =	shalt  }
0x69: {  	_ =	shalt  }
0x6a: {  	_ =	shalt  }
0x6b: {  	_ =	shalt  }
0x6c: {  	_ =	shalt  }
0x6d: {  	_ =	shalt  }
0x6e: {  	_ =	shalt  }
0x6f: {  	_ =	shalt  }
0x70: {  	_ =	shalt  }
0x71: {  	_ =	shalt  }
0x72: {  	_ =	shalt  }
0x73: {  	_ =	shalt  }
0x74: {  	_ =	shalt  }
0x75: {  	_ =	shalt  }
0x76: {  	_ =	shalt  }
0x77: {  	_ =	shalt  }
0x78: {  	_ =	shalt  }
0x79: {  	_ =	shalt  }
0x7a: {  	_ =	shalt  }
0x7b: {  	_ =	shalt  }
0x7c: {  	_ =	shalt  }
0x7d: {  	_ =	shalt  }
0x7e: {  	_ =	shalt  }
0x7f: {  	_ =	shalt  }
0x80: {  	_ =	shalt  }
0x81: {  	_ =	shalt  }
0x82: {  	_ =	shalt  }
0x83: {  	_ =	shalt  }
0x84: {  	_ =	shalt  }
0x85: {  	_ =	shalt  }
0x86: {  	_ =	shalt  }
0x87: {  	_ =	shalt  }
.Lfunc_end0:
.L_simem_size_0:
called_computation_lowered:
.L_overlay_start_0:
0x88: {  	s2 =	sld [smem:$0x3FD9]  }
0x89: {  	s3 =	sld [smem:$0x3FFE];
	_ =	sdelay $0x1  }
0x8a: {  	s1 =	srdreg.scid  }
0x8b: {  	s0 =	sand.u32 $0x1, s1  }
0x8c: {  	s18 =	sshll.u32 s0, $0xA;
	s2 =	sadd.s32 s3, s2  }
0x8d: {  	s2 =	sadd.s32 s2, s18  }
0x8e: {  	[smem:$0x3FC6] =	sst s2  }
0x8f: {  	_ = 	snop  }
0x90: {  	s2 =	sld [smem:$0x3FC9]  }
0x91: {  	s19 =	sld [smem:$0x3FC8]  }
0x92: {  	s4 =	sld [smem:$0x3FD0];
	(tm) =	ssettm $0x1  }
0x93: {  	s5 =	sld [smem:$0x3FFB];
	_ =	sdelay $0x3  }
0x94: {  	_ =	strace s5  }
0x95: {  	s5 =	sld [smem:$0x3FFC];
	_ =	sdelay $0x3  }
0x96: {  	_ =	strace s5  }
0x97: {  	s5 =	sld [smem:$0x3FFD];
	_ =	sdelay $0x3  }
0x98: {  	_ =	strace s5  }
0x99: {  	_ =	strace $0x8FFFFFFF  }
0x9a: {  	s20 =	sld [smem:$0x3FDB];
	_ =	sdelay $0x1  }
0x9b: {  	s6 =	simm.s32 $_scs_section_size  }
0x9c: {  	s7 =	simm.s32 $_size__tile_overlayer_lowered;
	s8 =	simm.s32 $_tile_overlayer_lowered  }
0x9d: {  	s23 =	simm.s32 $0x1BFF;
	s22 =	sshll.u32 s8, $0x1;
	s5 =	sadd.s32 s6, s20  }
0x9e: {  	s9 =	simm.s32 $0x0;
	s21 =	sshll.u32 s7, $0x1;
	s7 =	sadd.s32 s22, s5  }
0x9f: {  	[timem:s9], [sflag:s23] =	dma.local [hbm:s7], s21  }
0xa0: {  	_ =	swait.ge [sflag:s23], s21  }
0xa1: {  	s6 =	ssub.s32 $0x0, s21;
	[sflag:s23] =	ssyncset.done $0x0  }
0xa2: {  	[sflag:s23] =	ssyncadd.s32 s6;
	_ =	sdelay $0x1  }
0xa3: {  	s24 =	simm.s32 $0x1B8B  }
0xa4: {  	_ =	swait.ge [sflag:s24], $0x1  }
0xa5: {  	[sflag:s24] =	ssyncset.done $0x0  }
0xa6: {  	s25 =	simm.s32 $0x1B8E;
	[sflag:s24] =	ssyncadd.s32 $0xFFFFFFFF  }
0xa7: {  	s26 =	simm.s32 $execute0_lowered;
	[smem:$0x3FD2] =	sst s25  }
0xa8: {  	s6 =	sshll.u32 s26, $0x1;
	_ =	strace $0x80000046;
	[dreg:$0x1] =	wrdreg $0xFFFFFFFF  }
0xa9: {  	s28 =	simm.s32 $_size_execute0_lowered;
	s5 =	sadd.s32 s5, s6;
	[dreg:$0x0] =	wrdreg $0x0  }
0xaa: {  	s6 =	sshll.u32 s28, $0x1;
	[dreg:$0x2] =	wrdreg s5  }
0xab: {  	[dreg:$0x3] =	wrdreg s6  }
0xac: {  	[dreg:$0x4] =	wrdreg $0xC0  }
0xad: {  	_ =	task [dreg:s9], $0x5FFFF  }
0xae: {  	[dreg:$0x1] =	wrdreg $0xFFFFFFFF  }
0xaf: {  	[dreg:$0x0] =	wrdreg $0x60  }
0xb0: {  	[dreg:$0x2] =	wrdreg s2  }
0xb1: {  	[dreg:$0x3] =	wrdreg s19  }
0xb2: {  	[dreg:$0x4] =	wrdreg s4  }
0xb3: {  	[dreg:$0x5] =	wrdreg $0x9  }
0xb4: {  	_ =	task.clear_ibuf [dreg:s9], $0x6FFFF;
	_ =	strace $0x90000046  }
0xb5: {  	s29 =	simm.s32 $0x9;
	_ =	strace $0x80000048  }
0xb6: {  	_ =	swait.ge [sflag:s29], $0x1  }
0xb7: {  	[sflag:s29] =	ssyncadd.s32 $0xFFFFFFFF  }
0xb8: {  	_ =	strace $0x90000048  }
0xb9: {  	_ =	sfence  }
0xba: {  	s30 =	sld [smem:$0x0];
	_ =	sdelay $0x2  }
0xbb: {  	s31 =	sshll.u32 s1, $0xD;
	s1 =	sshrl.u32 s1, $0x2  }
0xbc: {  	s3 =	sand.u32 $0x4000, s31;
	s1 =	sadd.s32 s1, s30  }
0xbd: {  	s0 =	sor.u32 s3, s0;
	s1 =	sshll.u32 s1, $0x11  }
0xbe: {  	s0 =	sor.u32 s1, s0  }
0xbf: {  	s0 =	sadd.s32 $0x8F2B, s0  }
0xc0: {  	[sflag:s0] =	ssyncadd.remote.s32 $0x1  }
0xc1: {  	_ =	sfence.sel $0xFFFF  }
0xc2: {  	[dreg:$0x0] =	wrdreg $0xFFFFFFFF;
	(pc) =	sbr.abs _section_cstart, $3  }
0xc3: {  	[dreg:$0x1] =	wrdreg $0xFFFFFFFF  }
0xc4: {  	_ =	task.clear_ibuf [dreg:s9], $0x2FFFF;
	_ =	strace $0x9FFFFFFF  }
0xc5: {  	(tm) =	ssettm $0x7FFFFFFF  }
tec
execute0_lowered:
.L_overlay_start_1:
0x0: {  	(tag) =	ssettag $0x1  }
0x1: {  	s2 =	rddreg [dreg:$0x0]  }
0x2: {  	s3 =	rddreg [dreg:$0x1]  }
0x3: {  	s0 =	srdreg.scid;
	s4 =	rddreg [dreg:$0x2]  }
0x4: {  	s1 =	stileid.u32;
	s5 =	simm.s32 $0x0;
	s28 =	simm.s32 $0x8000  }
0x5: {  	s29 =	simm.s32 $0xA000;
	s30 =	simm.s32 $0xC000;
	s31 =	simm.s32 $0xE000  }
0x6: {  	s0 =	sand.u32 $0x1, s0;
	s1 =	sshll.u32 s1, $0x9;
	[smem:$0x7FF] =	sst s5  }
0x7: {  	s22 =	sadd.s32 $0x100000, s2;
	s23 =	sadd.s32 $0x200000, s2;
	s25 =	sadd.s32 $0x300000, s2  }
0x8: {  	s26 =	sadd.s32 $0x100000, s4;
	s16 =	sadd.s32 $0x200000, s4;
	s6 =	sshll.u32 s0, $0x8  }
0x9: {  	s17 =	sadd.s32 $0x300000, s4;
	s0 =	ssub.s32 $0x2, s0;
	s6 =	sor.u32 s6, s1  }
0xa: {  	_ =	strace $0x80000047;
	[dreg:$0x6] =	wrdreg s22;
	s7 =	sshll.u32 s6, $0x7  }
0xb: {  	s13 =	smov.u32 s23;
	[dreg:$0xa] =	wrdreg s26;
	s20 =	sadd.s32 s3, s7  }
0xc: {  	s15 =	smov.u32 s25;
	s21 =	sadd.s32 s2, s7;
	[dreg:$0x4] =	wrdreg s20  }
0xd: {  	s19 =	sshrl.u32 s0, $0x1;
	s1 =	sadd.s32 s7, s22;
	[dreg:$0x5] =	wrdreg s21  }
0xe: {  	s0 =	ssub.s32 s0, s19;
	s24 =	sadd.s32 s7, s23;
	[dreg:$0x7] =	wrdreg s1  }
0xf: {  	s10 =	smov.u32 s6;
	s0 =	smax.u32 s0, $0x1;
	[dreg:$0x8] =	wrdreg s24  }
0x10: {  	s18 =	sor.u32 $0x10, s6;
	s1 =	sadd.s32 s7, s25;
	[dreg:$0xb] =	wrdreg s0  }
0x11: {  	s20 =	sor.u32 $0x400, s7;
	s25 =	simm.s32 $0x1;
	s0 =	simm.s32 $0x2  }
0x12: {  	s7 =	simm.s32 $0x0;
	[dreg:$0x9] =	wrdreg s1;
	s1 =	simm.s32 $0x3  }
.LBB2_1:
0x13: {  	[dreg:$0xc] =	wrdreg s7  }
0x14: {  	s3 =	rddreg [dreg:$0x4];
	s6 =	simm.s32 $0x10000  }
0x15: {  	[tilespmem:s6], [sflag:$0x1] =	stream.linear.gather [hbm4b:s3+s5], $0x2000, $0x38;
	[tilespmem:$0x14000] =	vst v63  }
0x16: {  	s14 =	rddreg [dreg:$0x5]  }
0x17: {  	[tilespmem:s5], [sflag:$0x1] =	stream.linear.gather [hbm4b:s14+s5], $0x2000, $0x38;
	[tilespmem:$0x14000] =	vst v63  }
0x18: {  	s19 =	rddreg [dreg:$0x7];
	s21 =	simm.s32 $0x2000  }
0x19: {  	[tilespmem:s21], [sflag:$0x1] =	stream.linear.gather [hbm4b:s19+s5], $0x2000, $0x38;
	[tilespmem:$0x14000] =	vst v63  }
0x1a: {  	s22 =	rddreg [dreg:$0x8];
	s23 =	simm.s32 $0x4000  }
0x1b: {  	[tilespmem:s23], [sflag:$0x1] =	stream.linear.gather [hbm4b:s22+s5], $0x2000, $0x38;
	[tilespmem:$0x14000] =	vst v63  }
0x1c: {  	s24 =	rddreg [dreg:$0x9];
	s26 =	simm.s32 $0x6000;
	s8 =	simm.s32 $0x0  }
0x1d: {  	[tilespmem:s26], [sflag:$0x1] =	stream.linear.gather [hbm4b:s24+s5], $0x2000, $0x38;
	[tilespmem:$0x14000] =	vst v63  }
.LBB2_2:
0x1e: {  	_ =	swait.ge [sflag:s25], $0x2000  }
0x1f: {  	[sflag:s25] =	ssyncset.done $0x0  }
0x20: {  	[sflag:s25] =	ssyncadd.s32 $0xFFFFE000  }
0x21: {  	_ =	swait.ge [sflag:s25], $0x2000  }
0x22: {  	[sflag:s25] =	ssyncset.done $0x0  }
0x23: {  	[sflag:s25] =	ssyncadd.s32 $0xFFFFE000  }
0x24: {  	_ =	swait.ge [sflag:s25], $0x2000  }
0x25: {  	[sflag:s25] =	ssyncset.done $0x0  }
0x26: {  	[sflag:s25] =	ssyncadd.s32 $0xFFFFE000  }
0x27: {  	_ =	swait.ge [sflag:s25], $0x2000  }
0x28: {  	[sflag:s25] =	ssyncset.done $0x0  }
0x29: {  	[sflag:s25] =	ssyncadd.s32 $0xFFFFE000  }
0x2a: {  	_ =	swait.ge [sflag:s25], $0x2000  }
0x2b: {  	p0 =	seq.s32 s8, $0x0;
	[sflag:s25] =	ssyncset.done $0x0  }
0x2c: {  	s7 =	simm.s32 @!p0 $0x4;
	[sflag:s25] =	ssyncadd.s32 $0xFFFFE000  }
0x2d: {  	_ =	swait.ge @!p0 [sflag:s7], $0x2000  }
0x2e: {  	[sflag:s7] =	ssyncset.done @!p0 $0x0  }
0x2f: {  	[sflag:s7] =	ssyncadd.s32 @!p0 $0xFFFFE000  }
0x30: {  	_ =	swait.ge @!p0 [sflag:s7], $0x2000  }
0x31: {  	[sflag:s7] =	ssyncset.done @!p0 $0x0  }
0x32: {  	[sflag:s7] =	ssyncadd.s32 @!p0 $0xFFFFE000  }
0x33: {  	_ =	swait.ge @!p0 [sflag:s7], $0x2000  }
0x34: {  	[sflag:s7] =	ssyncset.done @!p0 $0x0  }
0x35: {  	[sflag:s7] =	ssyncadd.s32 @!p0 $0xFFFFE000  }
0x36: {  	_ =	swait.ge @!p0 [sflag:s7], $0x2000  }
0x37: {  	[sflag:s7] =	ssyncset.done @!p0 $0x0  }
0x38: {  	s11 =	sshll.u32 s8, $0xB;
	[sflag:s7] =	ssyncadd.s32 @!p0 $0xFFFFE000  }
0x39: {  	s11 =	sadd.s32 s20, s11;
	s3 =	rddreg [dreg:$0x1]  }
0x3a: {  	s22 =	simm.s32 $0x12000;
	s7 =	simm.s32 $0x0;
	s12 =	sadd.s32 s3, s11  }
0x3b: {  	[tilespmem:s22], [sflag:$0x2] =	stream.linear.gather [hbm4b:s12+s7], $0x2000, $0x38;
	[tilespmem:$0x14000] =	vst v63  }
0x3c: {  	s23 =	sadd.s32 s2, s11;
	s12 =	sor.u32 $0x100000, s11  }
0x3d: {  	[tilespmem:s28], [sflag:$0x2] =	stream.linear.gather [hbm4b:s23+s7], $0x2000, $0x38;
	[tilespmem:$0x14000] =	vst v63  }
0x3e: {  	s14 =	sadd.s32 s2, s12  }
0x3f: {  	[tilespmem:s29], [sflag:$0x2] =	stream.linear.gather [hbm4b:s14+s7], $0x2000, $0x38;
	[tilespmem:$0x14000] =	vst v63  }
0x40: {  	s14 =	sor.u32 $0x200000, s11  }
0x41: {  	s24 =	sand.u32 $0x1C00, s7;
	s19 =	sadd.s32 s2, s14  }
0x42: {  	[tilespmem:s30], [sflag:$0x2] =	stream.linear.gather [hbm4b:s19+s7], $0x2000, $0x38;
	[tilespmem:$0x14000] =	vst v63  }
0x43: {  	s22 =	sand.u32 $0x6000, s7;
	s23 =	sand.u32 $0x380, s7;
	s19 =	sor.u32 $0x300000, s11  }
0x44: {  	s22 =	sor.u32 s23, s22;
	s26 =	sor.u32 s23, s24;
	s21 =	sadd.s32 s2, s19  }
0x45: {  	[tilespmem:s31], [sflag:$0x2] =	stream.linear.gather [hbm4b:s21+s7], $0x2000, $0x38;
	[tilespmem:$0x14000] =	vst v63  }
0x46: {  	s21 =	sor.u32 s24, s22;
	v7 =	vld [tilespmem:s26+$0x10070]  }
0x47: {  	v8 =	vld [tilespmem:s21+$0x70]  }
0x48: {  	v6 =	vld [tilespmem:s21+$0x0]  }
0x49: {  	v5 =	vld [tilespmem:s21+$0x10]  }
0x4a: {  	v4 =	vld [tilespmem:s21+$0x20]  }
0x4b: {  	v3 =	vld [tilespmem:s21+$0x30]  }
0x4c: {  	v1 =	vld [tilespmem:s21+$0x40]  }
0x4d: {  	v2 =	vld [tilespmem:s21+$0x50]  }
0x4e: {  	v0 =	vld [tilespmem:s21+$0x60]  }
0x4f: {  	v10 =	vld [tilespmem:s26+$0x10000]  }
0x50: {  	v9 =	vld [tilespmem:s26+$0x10010];
	v7 =	vadd.f32 v7, v8  }
0x51: {  	v8 =	vld [tilespmem:s26+$0x10020]  }
0x52: {  	s23 =	simm.s32 $0x400;
	s22 =	simm.s32 $0x0;
	s24 =	simm.s32 $0x0;
	[tilespmem:s21+$0x70] =	vst v7;
	v7 =	vld [tilespmem:s26+$0x10030]  }
.LBB2_3:
0x53: {  	s3 =	sand.u32 $0x1C00, s23;
	v11 =	vld [tilespmem:s26+$0x10040];
	s7 =	sadd.s32 $0x80, s7;
	s24 =	sadd.s32 $0x10, s24  }
0x54: {  	s22 =	sadd.s32 $0x8, s22;
	s6 =	sand.u32 $0x6000, s7;
	s9 =	sand.u32 $0x380, s24;
	v6 =	vadd.f32 v10, v6;
	v10 =	vld [tilespmem:s26+$0x10050]  }
0x55: {  	p0 =	slt.u32 s22, $0x7F8;
	s6 =	sor.u32 s9, s6;
	v5 =	vadd.f32 v9, v5;
	v9 =	vld [tilespmem:s26+$0x10060];
	s26 =	sor.u32 s9, s3  }
0x56: {  	s3 =	sor.u32 s3, s6;
	v12 =	vld [tilespmem:s26+$0x10070];
	[tilespmem:s21+$0x0] =	vst v6;
	v4 =	vadd.f32 v8, v4  }
0x57: {  	v8 =	vld [tilespmem:s3+$0x70];
	[tilespmem:s21+$0x10] =	vst v5;
	v3 =	vadd.f32 v7, v3  }
0x58: {  	v6 =	vld [tilespmem:s3+$0x0];
	[tilespmem:s21+$0x20] =	vst v4;
	v1 =	vadd.f32 v11, v1  }
0x59: {  	v5 =	vld [tilespmem:s3+$0x10];
	[tilespmem:s21+$0x30] =	vst v3;
	v2 =	vadd.f32 v10, v2  }
0x5a: {  	v4 =	vld [tilespmem:s3+$0x20];
	[tilespmem:s21+$0x40] =	vst v1;
	v0 =	vadd.f32 v9, v0  }
0x5b: {  	v3 =	vld [tilespmem:s3+$0x30];
	[tilespmem:s21+$0x50] =	vst v2  }
0x5c: {  	v1 =	vld [tilespmem:s3+$0x40];
	v7 =	vadd.f32 v12, v8;
	[tilespmem:s21+$0x60] =	vst v0;
	s21 =	smov.u32 s3  }
0x5d: {  	v2 =	vld [tilespmem:s21+$0x50]  }
.Ltmp0:
0x5e: {  	v0 =	vld [tilespmem:s21+$0x60];
	[tilespmem:s21+$0x70] =	vst v7;
	(pc) =	sbr.rel @p0 .LBB2_3-.Ltmp0, $4  }
0x5f: {  	v10 =	vld [tilespmem:s26+$0x10000]  }
0x60: {  	v9 =	vld [tilespmem:s26+$0x10010]  }
0x61: {  	v8 =	vld [tilespmem:s26+$0x10020]  }
0x62: {  	s23 =	sadd.s32 $0x400, s23;
	v7 =	vld [tilespmem:s26+$0x10030]  }
0x63: {  	v11 =	vld [tilespmem:s26+$0x10040]  }
0x64: {  	v6 =	vadd.f32 v10, v6;
	v10 =	vld [tilespmem:s26+$0x10050]  }
0x65: {  	v5 =	vadd.f32 v9, v5;
	v9 =	vld [tilespmem:s26+$0x10060]  }
0x66: {  	[tilespmem:s21+$0x0] =	vst v6;
	v4 =	vadd.f32 v8, v4  }
0x67: {  	[tilespmem:s21+$0x10] =	vst v5;
	v3 =	vadd.f32 v7, v3  }
0x68: {  	[tilespmem:s21+$0x20] =	vst v4;
	v1 =	vadd.f32 v11, v1  }
0x69: {  	s3 =	sshll.u32 s8, $0x4;
	[tilespmem:s21+$0x30] =	vst v3;
	v2 =	vadd.f32 v10, v2  }
0x6a: {  	s6 =	sor.u32 s10, s3;
	[tilespmem:s21+$0x40] =	vst v1;
	v0 =	vadd.f32 v9, v0  }
0x6b: {  	s6 =	sshll.u32 s6, $0x7;
	[tilespmem:s21+$0x50] =	vst v2  }
0x6c: {  	s7 =	sadd.s32 s4, s6;
	[tilespmem:s21+$0x60] =	vst v0  }
0x6d: {  	[hbm4b:s7+s5] =	stream.linear.scatter [tilespmem:s5], [sflag:$0x3], $0x2000, $0x38;
	[tilespmem:$0x14000] =	vst v63  }
0x6e: {  	s26 =	rddreg [dreg:$0xa]  }
0x6f: {  	s9 =	simm.s32 $0x2000;
	s7 =	sadd.s32 s6, s26  }
0x70: {  	[hbm4b:s7+s5] =	stream.linear.scatter [tilespmem:s9], [sflag:$0x3], $0x2000, $0x38;
	[tilespmem:$0x14000] =	vst v63  }
0x71: {  	s21 =	simm.s32 $0x4000;
	s9 =	sadd.s32 s6, s16  }
0x72: {  	[hbm4b:s9+s5] =	stream.linear.scatter [tilespmem:s21], [sflag:$0x3], $0x2000, $0x38;
	[tilespmem:$0x14000] =	vst v63  }
0x73: {  	s22 =	simm.s32 $0x6000;
	s6 =	sadd.s32 s6, s17  }
0x74: {  	[hbm4b:s6+s5] =	stream.linear.scatter [tilespmem:s22], [sflag:$0x3], $0x2000, $0x38;
	[tilespmem:$0x14000] =	vst v63  }
0x75: {  	_ =	swait.ge [sflag:s0], $0x2000  }
0x76: {  	[sflag:s0] =	ssyncset.done $0x0  }
0x77: {  	[sflag:s0] =	ssyncadd.s32 $0xFFFFE000  }
0x78: {  	_ =	swait.ge [sflag:s0], $0x2000  }
0x79: {  	[sflag:s0] =	ssyncset.done $0x0  }
0x7a: {  	[sflag:s0] =	ssyncadd.s32 $0xFFFFE000  }
0x7b: {  	_ =	swait.ge [sflag:s0], $0x2000  }
0x7c: {  	[sflag:s0] =	ssyncset.done $0x0  }
0x7d: {  	[sflag:s0] =	ssyncadd.s32 $0xFFFFE000  }
0x7e: {  	_ =	swait.ge [sflag:s0], $0x2000  }
0x7f: {  	[sflag:s0] =	ssyncset.done $0x0  }
0x80: {  	[sflag:s0] =	ssyncadd.s32 $0xFFFFE000  }
0x81: {  	_ =	swait.ge [sflag:s0], $0x2000  }
0x82: {  	[sflag:s0] =	ssyncset.done $0x0  }
0x83: {  	[sflag:s0] =	ssyncadd.s32 $0xFFFFE000  }
0x84: {  	_ =	swait.ge [sflag:s1], $0x2000  }
0x85: {  	[sflag:s1] =	ssyncset.done $0x0  }
0x86: {  	[sflag:s1] =	ssyncadd.s32 $0xFFFFE000  }
0x87: {  	_ =	swait.ge [sflag:s1], $0x2000  }
0x88: {  	[sflag:s1] =	ssyncset.done $0x0  }
0x89: {  	[sflag:s1] =	ssyncadd.s32 $0xFFFFE000  }
0x8a: {  	_ =	swait.ge [sflag:s1], $0x2000  }
0x8b: {  	[sflag:s1] =	ssyncset.done $0x0  }
0x8c: {  	[sflag:s1] =	ssyncadd.s32 $0xFFFFE000  }
0x8d: {  	_ =	swait.ge [sflag:s1], $0x2000  }
0x8e: {  	p0 =	seq.s32 s8, $0xF;
	[sflag:s1] =	ssyncset.done $0x0  }
0x8f: {  	s3 =	sadd.s32 @!p0 s3, s18;
	[sflag:s1] =	ssyncadd.s32 $0xFFFFE000  }
0x90: {  	s3 =	sshll.u32 @!p0 s3, $0x7;
	s6 =	rddreg [dreg:$0x1]  }
0x91: {  	s7 =	simm.s32 @!p0 $0x0;
	s9 =	simm.s32 @!p0 $0x10000;
	s6 =	sadd.s32 @!p0 s6, s3  }
0x92: {  	[tilespmem:s9], [sflag:$0x1] =	stream.linear.gather @!p0 [hbm4b:s6+s7], $0x2000, $0x38;
	[tilespmem:$0x14000] =	vst v63  }
0x93: {  	s6 =	sadd.s32 @!p0 s2, s3  }
0x94: {  	[tilespmem:s7], [sflag:$0x1] =	stream.linear.gather @!p0 [hbm4b:s6+s7], $0x2000, $0x38;
	[tilespmem:$0x14000] =	vst v63  }
0x95: {  	s21 =	simm.s32 $0x0;
	s6 =	rddreg [dreg:$0x6]  }
0x96: {  	s23 =	sand.u32 $0x1C00, s21;
	s9 =	simm.s32 @!p0 $0x2000;
	s6 =	sadd.s32 @!p0 s3, s6  }
0x97: {  	[tilespmem:s9], [sflag:$0x1] =	stream.linear.gather @!p0 [hbm4b:s6+s7], $0x2000, $0x38;
	[tilespmem:$0x14000] =	vst v63  }
0x98: {  	s24 =	sand.u32 $0x6000, s21;
	s6 =	sadd.s32 @!p0 s3, s13;
	s9 =	simm.s32 @!p0 $0x4000  }
0x99: {  	[tilespmem:s9], [sflag:$0x1] =	stream.linear.gather @!p0 [hbm4b:s6+s7], $0x2000, $0x38;
	[tilespmem:$0x14000] =	vst v63  }
0x9a: {  	s26 =	sand.u32 $0x380, s21;
	s3 =	sadd.s32 @!p0 s3, s15;
	s6 =	simm.s32 @!p0 $0x6000  }
0x9b: {  	[tilespmem:s6], [sflag:$0x1] =	stream.linear.gather @!p0 [hbm4b:s3+s7], $0x2000, $0x38;
	[tilespmem:$0x14000] =	vst v63  }
0x9c: {  	s6 =	sor.u32 s26, s24;
	s26 =	sor.u32 s26, s23  }
0x9d: {  	v7 =	vld [tilespmem:s26+$0x12070]  }
0x9e: {  	v10 =	vld [tilespmem:s26+$0x12000]  }
0x9f: {  	s7 =	sor.u32 s23, s6;
	v9 =	vld [tilespmem:s26+$0x12010]  }
0xa0: {  	v8 =	vld [tilespmem:s7+$0x8070]  }
0xa1: {  	v6 =	vld [tilespmem:s7+$0x8000]  }
0xa2: {  	v5 =	vld [tilespmem:s7+$0x8010]  }
0xa3: {  	v4 =	vld [tilespmem:s7+$0x8020]  }
0xa4: {  	v3 =	vld [tilespmem:s7+$0x8030]  }
0xa5: {  	v1 =	vld [tilespmem:s7+$0x8040]  }
0xa6: {  	v2 =	vld [tilespmem:s7+$0x8050]  }
0xa7: {  	v0 =	vld [tilespmem:s7+$0x8060];
	v7 =	vadd.f32 v7, v8  }
0xa8: {  	v8 =	vld [tilespmem:s26+$0x12020]  }
0xa9: {  	s22 =	simm.s32 $0x0;
	s24 =	simm.s32 $0x0;
	s23 =	simm.s32 $0x400;
	[tilespmem:s7+$0x8070] =	vst v7;
	v7 =	vld [tilespmem:s26+$0x12030]  }
.LBB2_5:
0xaa: {  	s3 =	sand.u32 $0x1C00, s23;
	v11 =	vld [tilespmem:s26+$0x12040];
	s21 =	sadd.s32 $0x80, s21;
	s24 =	sadd.s32 $0x10, s24  }
0xab: {  	s22 =	sadd.s32 $0x8, s22;
	s6 =	sand.u32 $0x6000, s21;
	s9 =	sand.u32 $0x380, s24;
	v6 =	vadd.f32 v10, v6;
	v10 =	vld [tilespmem:s26+$0x12050]  }
0xac: {  	p0 =	slt.u32 s22, $0x7F8;
	s6 =	sor.u32 s9, s6;
	v5 =	vadd.f32 v9, v5;
	v9 =	vld [tilespmem:s26+$0x12060];
	s26 =	sor.u32 s9, s3  }
0xad: {  	s3 =	sor.u32 s3, s6;
	v12 =	vld [tilespmem:s26+$0x12070];
	[tilespmem:s7+$0x8000] =	vst v6;
	v4 =	vadd.f32 v8, v4  }
0xae: {  	v8 =	vld [tilespmem:s3+$0x8070];
	[tilespmem:s7+$0x8010] =	vst v5;
	v3 =	vadd.f32 v7, v3  }
0xaf: {  	v6 =	vld [tilespmem:s3+$0x8000];
	[tilespmem:s7+$0x8020] =	vst v4;
	v1 =	vadd.f32 v11, v1  }
0xb0: {  	v5 =	vld [tilespmem:s3+$0x8010];
	[tilespmem:s7+$0x8030] =	vst v3;
	v2 =	vadd.f32 v10, v2  }
0xb1: {  	v4 =	vld [tilespmem:s3+$0x8020];
	[tilespmem:s7+$0x8040] =	vst v1;
	v0 =	vadd.f32 v9, v0  }
0xb2: {  	v3 =	vld [tilespmem:s3+$0x8030];
	[tilespmem:s7+$0x8050] =	vst v2  }
0xb3: {  	v1 =	vld [tilespmem:s3+$0x8040];
	v7 =	vadd.f32 v12, v8;
	[tilespmem:s7+$0x8060] =	vst v0;
	s7 =	smov.u32 s3  }
0xb4: {  	v2 =	vld [tilespmem:s7+$0x8050]  }
.Ltmp1:
0xb5: {  	v0 =	vld [tilespmem:s7+$0x8060];
	[tilespmem:s7+$0x8070] =	vst v7;
	(pc) =	sbr.rel @p0 .LBB2_5-.Ltmp1, $4  }
0xb6: {  	v10 =	vld [tilespmem:s26+$0x12000]  }
0xb7: {  	v9 =	vld [tilespmem:s26+$0x12010]  }
0xb8: {  	v8 =	vld [tilespmem:s26+$0x12020]  }
0xb9: {  	s23 =	sadd.s32 $0x400, s23;
	v7 =	vld [tilespmem:s26+$0x12030]  }
0xba: {  	v11 =	vld [tilespmem:s26+$0x12040]  }
0xbb: {  	v62 =	vld [tilespmem:s26+$0x12050];
	v6 =	vadd.f32 v10, v6  }
0xbc: {  	v63 =	vld [tilespmem:s26+$0x12060];
	v5 =	vadd.f32 v9, v5  }
0xbd: {  	[tilespmem:s7+$0x8000] =	vst v6;
	v4 =	vadd.f32 v8, v4  }
0xbe: {  	[tilespmem:s7+$0x8010] =	vst v5;
	v3 =	vadd.f32 v7, v3  }
0xbf: {  	[tilespmem:s7+$0x8020] =	vst v4;
	v1 =	vadd.f32 v11, v1  }
0xc0: {  	v2 =	vadd.f32 v62, v2;
	[tilespmem:s7+$0x8030] =	vst v3  }
0xc1: {  	v0 =	vadd.f32 v63, v0;
	[tilespmem:s7+$0x8040] =	vst v1  }
0xc2: {  	[tilespmem:s7+$0x8050] =	vst v2  }
0xc3: {  	s3 =	sadd.s32 s4, s11;
	s8 =	sadd.s32 $0x1, s8;
	[tilespmem:s7+$0x8060] =	vst v0  }
0xc4: {  	[hbm4b:s3+s5] =	stream.linear.scatter [tilespmem:s28], [sflag:$0x4], $0x2000, $0x38;
	[tilespmem:$0x14000] =	vst v63  }
0xc5: {  	s23 =	sadd.s32 s4, s12;
	p0 =	sne.s32 s8, $0x10  }
0xc6: {  	[hbm4b:s23+s5] =	stream.linear.scatter [tilespmem:s29], [sflag:$0x4], $0x2000, $0x38;
	[tilespmem:$0x14000] =	vst v63  }
.Ltmp2:
0xc7: {  	_ = 	snop;
	(pc) =	sbr.rel @p0 .LBB2_2-.Ltmp2, $4  }
0xc8: {  	s24 =	sadd.s32 s4, s14  }
0xc9: {  	[hbm4b:s24+s5] =	stream.linear.scatter [tilespmem:s30], [sflag:$0x4], $0x2000, $0x38;
	[tilespmem:$0x14000] =	vst v63  }
0xca: {  	s26 =	sadd.s32 s4, s19  }
0xcb: {  	[hbm4b:s26+s5] =	stream.linear.scatter [tilespmem:s31], [sflag:$0x4], $0x2000, $0x38;
	[tilespmem:$0x14000] =	vst v63  }
0xcc: {  	s6 =	simm.s32 $0x4  }
0xcd: {  	_ =	swait.ge [sflag:s6], $0x2000  }
0xce: {  	[sflag:s6] =	ssyncset.done $0x0  }
0xcf: {  	[sflag:s6] =	ssyncadd.s32 $0xFFFFE000  }
0xd0: {  	_ =	swait.ge [sflag:s6], $0x2000  }
0xd1: {  	[sflag:s6] =	ssyncset.done $0x0  }
0xd2: {  	[sflag:s6] =	ssyncadd.s32 $0xFFFFE000  }
0xd3: {  	_ =	swait.ge [sflag:s6], $0x2000  }
0xd4: {  	[sflag:s6] =	ssyncset.done $0x0  }
0xd5: {  	[sflag:s6] =	ssyncadd.s32 $0xFFFFE000  }
0xd6: {  	_ =	swait.ge [sflag:s6], $0x2000  }
0xd7: {  	s7 =	rddreg [dreg:$0xc]  }
0xd8: {  	s3 =	rddreg [dreg:$0xb];
	s7 =	sadd.s32 $0x1, s7  }
0xd9: {  	p0 =	sne.s32 s7, s3  }
.Ltmp3:
0xda: {  	_ = 	snop;
	(pc) =	sbr.rel @p0 .LBB2_1-.Ltmp3, $3  }
0xdb: {  	_ =	sdelay $0x1  }
0xdc: {  	[sflag:s6] =	ssyncset.done $0x0  }
0xdd: {  	[sflag:s6] =	ssyncadd.s32 $0xFFFFE000  }
0xde: {  	_ =	sfence.sel $0x180000  }
0xdf: {  	[bflag:$0x0] =	sbarrier.arrive $0xFFFF  }
0xe0: {  	_ =	strace $0x90000047  }
0xe1: {  	s0 =	stileid.u32;
	[bflag:$0x2] =	sbarrier.arrive $0xFFFF  }
0xe2: {  	p0 =	sne.s32 s0, $0x0;
	s0 =	rddreg [dreg:$0x3]  }
0xe3: {  	s0 =	sadd.s32 @!p0 $0x100000, s0  }
0xe4: {  	[sflag:s0] =	ssyncadd.tile.s32 @!p0 $0x1;
	_ =	shalt  }
.Lfunc_end2:
_tile_overlayer_lowered:
.L_overlay_start_2:
0xe5: {  	(tag) =	ssettag $0x2  }
0xe6: {  	s0 =	rddreg [dreg:$0x0];
	s2 =	stileid.u32  }
0xe7: {  	s1 =	rddreg [dreg:$0x1];
	p0 =	sne.s32 s2, $0x0  }
0xe8: {  	s3 =	rddreg [dreg:$0x2];
	[bflag:$0x3] =	sbarrier.arrive $0xFFFF;
	s2 =	simm.s32 @!p0 $0x1C05  }
0xe9: {  	[timem:s3], [sflag:s2] =	dma.local @!p0 [hbm:s0], s1  }
0xea: {  	s0 =	simm.s32 @!p0 $0x5  }
0xeb: {  	_ =	swait.ge @!p0 [sflag:s0], s1  }
0xec: {  	s1 =	ssub.s32 @!p0 $0x0, s1;
	[sflag:s0] =	ssyncset.done @!p0 $0x0  }
0xed: {  	[sflag:s0] =	ssyncadd.s32 @!p0 s1  }
0xee: {  	[bflag:$0x3] =	sbarrier.arrive $0xFFFF  }
0xef: {  	_ =	shalt  }

</sc_bundles>
